<compile_context>
chip_gen: v7x
topology: tpu7x:2x2x1
jax: 0.10.2.dev20260603
libtpu: 0.0.44.dev20260713+nightly
codegen_flags: <defaults>
</compile_context>

<pallas_src>
import functools

import jax
import jax.numpy as jnp
from jax import lax
from jax.experimental import pallas as pl
from jax.experimental.pallas import tpu as pltpu
from jax.experimental.pallas import tpu_sc as plsc

_NCHUNK = 4


def _sc_masked_rowsum(data_hbm, lens_hbm, out_hbm, row_v, lens_v, out_v):
    row = lax.axis_index("s")
    half = lax.axis_index("c")
    T_half = row_v.shape[0]
    base = half * T_half

    pltpu.sync_copy(data_hbm.at[row, pl.ds(base, T_half)], row_v)
    pltpu.sync_copy(lens_hbm.at[row], lens_v)
    len_vec = lens_v[...]

    lane = lax.iota(jnp.int32, 16)

    def body(j, acc):
        chunk = row_v[pl.ds(j * 16, 16)]
        idx = lane + (base + j * 16)
        return acc + jnp.where(idx < len_vec, chunk, 0.0)

    acc = lax.fori_loop(0, T_half // 16, body,
                        jnp.zeros((16,), jnp.float32))
    out_v[...] = acc
    pltpu.sync_copy(out_v, out_hbm.at[row, pl.ds(half * 16, 16)])


def _sc_partials(data, lens_bcast):
    B = data.shape[0]
    mesh = plsc.VectorSubcoreMesh(core_axis_name="c", subcore_axis_name="s")
    run = functools.partial(
        pl.kernel,
        out_type=jax.ShapeDtypeStruct((B, 32), jnp.float32),
        mesh=mesh,
        scratch_types=[
            pltpu.VMEM((data.shape[1] // 2,), jnp.float32),
            pltpu.VMEM((16,), jnp.int32),
            pltpu.VMEM((16,), jnp.float32),
        ],
    )(_sc_masked_rowsum)
    return run(data, lens_bcast)


def _tc_mlp_kernel(part_ref, len_ref, wt_ref, bt_ref,
                   w0_hbm, b0_ref, w1_hbm, b1_ref,
                   w2_hbm, b2_ref, w3_hbm, b3_ref, out_ref,
                   w0_v, w1_v, w2_v, w3_v, sems):
    H = w0_v.shape[0]
    ck = H // _NCHUNK
    copies = []
    for i, (src, dst) in enumerate(((w0_hbm, w0_v), (w1_hbm, w1_v),
                                    (w2_hbm, w2_v), (w3_hbm, w3_v))):
        for j in range(_NCHUNK):
            cp = pltpu.make_async_copy(src.at[pl.ds(j * ck, ck), :],
                                       dst.at[pl.ds(j * ck, ck), :],
                                       sems.at[i * _NCHUNK + j])
            cp.start()
            copies.append(cp)

    s = jnp.sum(part_ref[...], axis=1, keepdims=True)
    lens = len_ref[...]
    lenf = lens.astype(jnp.float32)
    h = s * wt_ref[...] + lenf * bt_ref[...]

    for li, (w_v, b_ref) in enumerate(((w0_v, b0_ref), (w1_v, b1_ref),
                                       (w2_v, b2_ref), (w3_v, b3_ref))):
        acc = b_ref[...]
        for j in range(_NCHUNK):
            copies[li * _NCHUNK + j].wait()
            acc = acc + jnp.dot(h[:, j * ck:(j + 1) * ck],
                                w_v[pl.ds(j * ck, ck), :],
                                preferred_element_type=jnp.float32)
        h = jnp.maximum(acc, 0.0) if li < 3 else acc
    out_ref[...] = h


def kernel(data, layer_parameters, wt, bt, W0, b0, W1, b1, W2, b2, W3, b3):
    B, T = data.shape
    H = wt.shape[0]
    lens_bcast = jnp.broadcast_to(layer_parameters[:, None], (B, 16))
    partials = _sc_partials(data, lens_bcast)

    lens2d = layer_parameters.reshape(B, 1)
    vmem = pl.BlockSpec(memory_space=pltpu.MemorySpace.VMEM)
    hbm = pl.BlockSpec(memory_space=pl.ANY)
    return pl.pallas_call(
        _tc_mlp_kernel,
        out_shape=jax.ShapeDtypeStruct((B, H), jnp.float32),
        in_specs=[vmem, vmem, vmem, vmem,
                  hbm, vmem, hbm, vmem,
                  hbm, vmem, hbm, vmem],
        out_specs=vmem,
        scratch_shapes=[
            pltpu.VMEM((H, H), jnp.float32),
            pltpu.VMEM((H, H), jnp.float32),
            pltpu.VMEM((H, H), jnp.float32),
            pltpu.VMEM((H, H), jnp.float32),
            pltpu.SemaphoreType.DMA((4 * _NCHUNK,)),
        ],
    )(partials, lens2d, wt.reshape(1, H), bt.reshape(1, H),
      W0, b0.reshape(1, H), W1, b1.reshape(1, H),
      W2, b2.reshape(1, H), W3, b3.reshape(1, H))

# --- scband reference (transcript-rebuilt; emitter-appended) ---
"""Pipeline reference for scband-gnnemb-variable-encoder-78254304133720 (READ-ONLY COPY).

The authoritative reference and input builder live on the scoring server;
editing this copy changes nothing except your own understanding.
"""

import jax, jax.numpy as jnp
import numpy as np

B, T, H = 16, 2048, 1024

def setup_inputs(seed: int = 0) -> dict:
    key = jax.random.key(seed)
    ks = jax.random.split(key, 12)
    data = jax.random.normal(ks[0], (B, T), dtype=jnp.float32)
    # lengths must be >= 1 and <= T for pack_padded_sequence semantics
    layer_parameters = jax.random.randint(ks[1], (B,), 1, T + 1, dtype=jnp.int32)
    # nn.Linear(1, H): weight [H,1] -> vector [H], bias [H]
    wt = jax.random.uniform(ks[2], (H,), dtype=jnp.float32, minval=-1.0, maxval=1.0)
    bt = jax.random.uniform(ks[3], (H,), dtype=jnp.float32, minval=-1.0, maxval=1.0)
    s = 1.0 / np.sqrt(H)
    W0 = jax.random.uniform(ks[4], (H, H), dtype=jnp.float32, minval=-s, maxval=s)
    b0 = jax.random.uniform(ks[5], (H,), dtype=jnp.float32, minval=-s, maxval=s)
    W1 = jax.random.uniform(ks[6], (H, H), dtype=jnp.float32, minval=-s, maxval=s)
    b1 = jax.random.uniform(ks[7], (H,), dtype=jnp.float32, minval=-s, maxval=s)
    W2 = jax.random.uniform(ks[8], (H, H), dtype=jnp.float32, minval=-s, maxval=s)
    b2 = jax.random.uniform(ks[9], (H,), dtype=jnp.float32, minval=-s, maxval=s)
    W3 = jax.random.uniform(ks[10], (H, H), dtype=jnp.float32, minval=-s, maxval=s)
    b3 = jax.random.uniform(ks[11], (H,), dtype=jnp.float32, minval=-s, maxval=s)
    return {"data": data, "layer_parameters": layer_parameters,
            "wt": wt, "bt": bt,
            "W0": W0, "b0": b0, "W1": W1, "b1": b1,
            "W2": W2, "b2": b2, "W3": W3, "b3": b3}

def reference(data, layer_parameters, wt, bt, W0, b0, W1, b1, W2, b2, W3, b3):
    # pack_padded_sequence selects only valid timesteps; Linear(1,H) is applied to
    # each valid scalar element, then pad_packed_sequence zero-pads and we sum over time.
    # Equivalent faithful math: apply the elementwise linear everywhere, zero out
    # invalid timesteps with a length mask (padding after pack is exactly zero),
    # then segment-sum over the time axis.
    Bc, Tc = data.shape
    mask = (jnp.arange(Tc)[None, :] < layer_parameters[:, None]).astype(data.dtype)
    expanded = data[:, :, None] * wt[None, None, :] + bt[None, None, :]  # [B, T, H]
    expanded = expanded * mask[:, :, None]
    aggregated = expanded.sum(axis=1)  # [B, H]
    # MLP(num_layers=4, input_dim=H, hidden_dim=H, output_dim=H, no batch norm)
    h = jnp.maximum(aggregated @ W0 + b0, 0.0)
    h = jnp.maximum(h @ W1 + b1, 0.0)
    h = jnp.maximum(h @ W2 + b2, 0.0)
    out = h @ W3 + b3
    return out

if __name__ == "__main__":
    import jax
    _d = setup_inputs()
    print(jax.jit(kernel)(*tuple(_d.values())))

</pallas_src>

<mosaic_0001>
#map = affine_map<(d0, d1) -> (0, 0)>
module attributes {stable_mosaic.version = 14 : i64} {
  func.func @_sc_masked_rowsum(%arg0: i32, %arg1: i32, %arg2: memref<16x2048xf32, #tpu.memory_space<hbm>>, %arg3: memref<16x16xi32, #tpu.memory_space<hbm>>, %arg4: memref<16x32xf32, #tpu.memory_space<hbm>>, %arg5: memref<1024xf32, #tpu.memory_space<vmem>>, %arg6: memref<16xi32, #tpu.memory_space<vmem>>, %arg7: memref<16xf32, #tpu.memory_space<vmem>>) attributes {dimension_semantics = [#tpu.dimension_semantics<core_parallel>, #tpu.dimension_semantics<subcore_parallel>], iteration_bounds = array<i64: 2, 16>, scalar_prefetch = 0 : i64, scratch_operands = 3 : i64, tpu.core_type = #tpu.core_type<sc_vector_subcore>, window_params = [{transform_indices = #map}, {transform_indices = #map}, {transform_indices = #map}]} {
    %mul3A = arith.constant 1024 : i32
    %mul3A_0 = arith.muli %arg0, %mul3A : i32
    "tpu.region"() ({
      %run_scoped3A = tpu.sem_alloc : memref<!tpu.dma_semaphore, #tpu.memory_space<semaphore_mem>>
      %dma_start3A = tpu.memref_slice %arg2[%arg1, %mul3A_0] : memref<16x2048xf32, #tpu.memory_space<hbm>> -> memref<1x1024xf32, #tpu.memory_space<hbm>>
      %dma_start3A_14 = tpu.memref_squeeze %dma_start3A : memref<1x1024xf32, #tpu.memory_space<hbm>> -> memref<1024xf32, #tpu.memory_space<hbm>>
      %dma_start3A_15 = tpu.memref_slice %arg2[%arg1, %mul3A_0] : memref<16x2048xf32, #tpu.memory_space<hbm>> -> memref<1x1024xf32, #tpu.memory_space<hbm>>
      %dma_start3A_16 = tpu.memref_squeeze %dma_start3A_15 : memref<1x1024xf32, #tpu.memory_space<hbm>> -> memref<1024xf32, #tpu.memory_space<hbm>>
      tpu.enqueue_dma source(%dma_start3A_16 : memref<1024xf32, #tpu.memory_space<hbm>>) target(%arg5 : memref<1024xf32, #tpu.memory_space<vmem>>) target_semaphore(%run_scoped3A : memref<!tpu.dma_semaphore, #tpu.memory_space<semaphore_mem>>)
      %dma_wait3A = tpu.memref_slice %arg2[%arg1, %mul3A_0] : memref<16x2048xf32, #tpu.memory_space<hbm>> -> memref<1x1024xf32, #tpu.memory_space<hbm>>
      %dma_wait3A_17 = tpu.memref_squeeze %dma_wait3A : memref<1x1024xf32, #tpu.memory_space<hbm>> -> memref<1024xf32, #tpu.memory_space<hbm>>
      %dma_wait3A_18 = tpu.memref_slice %arg2[%arg1, %mul3A_0] : memref<16x2048xf32, #tpu.memory_space<hbm>> -> memref<1x1024xf32, #tpu.memory_space<hbm>>
      %dma_wait3A_19 = tpu.memref_squeeze %dma_wait3A_18 : memref<1x1024xf32, #tpu.memory_space<hbm>> -> memref<1024xf32, #tpu.memory_space<hbm>>
      tpu.wait_dma2 semaphore(%run_scoped3A : memref<!tpu.dma_semaphore, #tpu.memory_space<semaphore_mem>>) src(%dma_wait3A_19 : memref<1024xf32, #tpu.memory_space<hbm>>) dst(%arg5 : memref<1024xf32, #tpu.memory_space<vmem>>)
      tpu.yield
    }) : () -> ()
    "tpu.region"() ({
      %run_scoped3A = tpu.sem_alloc : memref<!tpu.dma_semaphore, #tpu.memory_space<semaphore_mem>>
      %dma_start3A = arith.constant 0 : i32
      %dma_start3A_14 = tpu.memref_slice %arg3[%arg1, %dma_start3A] : memref<16x16xi32, #tpu.memory_space<hbm>> -> memref<1x16xi32, #tpu.memory_space<hbm>>
      %dma_start3A_15 = tpu.memref_squeeze %dma_start3A_14 : memref<1x16xi32, #tpu.memory_space<hbm>> -> memref<16xi32, #tpu.memory_space<hbm>>
      %dma_start3A_16 = arith.constant 0 : i32
      %dma_start3A_17 = tpu.memref_slice %arg3[%arg1, %dma_start3A_16] : memref<16x16xi32, #tpu.memory_space<hbm>> -> memref<1x16xi32, #tpu.memory_space<hbm>>
      %dma_start3A_18 = tpu.memref_squeeze %dma_start3A_17 : memref<1x16xi32, #tpu.memory_space<hbm>> -> memref<16xi32, #tpu.memory_space<hbm>>
      tpu.enqueue_dma source(%dma_start3A_18 : memref<16xi32, #tpu.memory_space<hbm>>) target(%arg6 : memref<16xi32, #tpu.memory_space<vmem>>) target_semaphore(%run_scoped3A : memref<!tpu.dma_semaphore, #tpu.memory_space<semaphore_mem>>)
      %dma_wait3A = arith.constant 0 : i32
      %dma_wait3A_19 = tpu.memref_slice %arg3[%arg1, %dma_wait3A] : memref<16x16xi32, #tpu.memory_space<hbm>> -> memref<1x16xi32, #tpu.memory_space<hbm>>
      %dma_wait3A_20 = tpu.memref_squeeze %dma_wait3A_19 : memref<1x16xi32, #tpu.memory_space<hbm>> -> memref<16xi32, #tpu.memory_space<hbm>>
      %dma_wait3A_21 = arith.constant 0 : i32
      %dma_wait3A_22 = tpu.memref_slice %arg3[%arg1, %dma_wait3A_21] : memref<16x16xi32, #tpu.memory_space<hbm>> -> memref<1x16xi32, #tpu.memory_space<hbm>>
      %dma_wait3A_23 = tpu.memref_squeeze %dma_wait3A_22 : memref<1x16xi32, #tpu.memory_space<hbm>> -> memref<16xi32, #tpu.memory_space<hbm>>
      tpu.wait_dma2 semaphore(%run_scoped3A : memref<!tpu.dma_semaphore, #tpu.memory_space<semaphore_mem>>) src(%dma_wait3A_23 : memref<16xi32, #tpu.memory_space<hbm>>) dst(%arg6 : memref<16xi32, #tpu.memory_space<vmem>>)
      tpu.yield
    }) : () -> ()
    %get3A = arith.constant 0 : index
    %get3A_1 = tpu.vector_load %arg6[%get3A] {strides = array<i32>} : memref<16xi32, #tpu.memory_space<vmem>>, vector<16xi32>,
    %get3A_2 = vector.shape_cast %get3A_1 : vector<16xi32> to vector<16xi32>
    %iota3A = tpu.iota {dimensions = array<i32: 0>} : vector<16xi32>
    %broadcast_in_dim3A = arith.constant 0.000000e+00 : f32
    %broadcast_in_dim3A_3 = vector.broadcast %broadcast_in_dim3A : f32 to vector<16xf32>
    %scan3A = arith.constant 0 : i32
    %scan3A_4 = arith.constant 64 : i32
    %scan3A_5 = arith.addi %scan3A, %scan3A_4 : i32
    %scan3A_6 = arith.constant 1 : i32
    %scan3A_7 = scf.for %scan3A_14 = %scan3A to %scan3A_5 step %scan3A_6 iter_args(%scan3A_15 = %broadcast_in_dim3A_3) -> (vector<16xf32>)  : i32 {
      %mul3A_16 = arith.constant 16 : i32
      %mul3A_17 = arith.muli %scan3A_14, %mul3A_16 : i32
      %get3A_18 = arith.index_cast %mul3A_17 : i32 to index
      %get3A_19 = tpu.vector_load %arg5[%get3A_18] {strides = array<i32>} : memref<1024xf32, #tpu.memory_space<vmem>>, vector<16xf32>,
      %get3A_20 = vector.shape_cast %get3A_19 : vector<16xf32> to vector<16xf32>
      %mul3A_21 = arith.constant 16 : i32
      %mul3A_22 = arith.muli %scan3A_14, %mul3A_21 : i32
      %add3A = arith.addi %mul3A_0, %mul3A_22 : i32
      %add3A_23 = vector.broadcast %add3A : i32 to vector<16xi32>
      %add3A_24 = arith.addi %iota3A, %add3A_23 : vector<16xi32>
      %lt3A = arith.cmpi slt, %add3A_24, %get3A_2 : vector<16xi32>
      %jit3A = arith.constant 0.000000e+00 : f32
      %broadcast_in_dim3A_25 = vector.broadcast %jit3A : f32 to vector<16xf32>
      %select_n3A = arith.select %lt3A, %get3A_20, %broadcast_in_dim3A_25 : vector<16xi1>, vector<16xf32>
      %add3A_26 = arith.addf %scan3A_15, %select_n3A : vector<16xf32>
      scf.yield %add3A_26 : vector<16xf32>
    }
    %scan3A_8 = arith.constant 64 : i32
    %swap3A = arith.constant 0 : index
    %swap3A_9 = tpu.vector_load %arg7[%swap3A] {strides = array<i32>} : memref<16xf32, #tpu.memory_space<vmem>>, vector<16xf32>,
    %swap3A_10 = vector.shape_cast %swap3A_9 : vector<16xf32> to vector<16xf32>
    %swap3A_11 = vector.shape_cast %scan3A_7 : vector<16xf32> to vector<16xf32>
    tpu.vector_store %arg7[%swap3A], %swap3A_11 {strides = array<i32>} : memref<16xf32, #tpu.memory_space<vmem>>, vector<16xf32>,
    %mul3A_12 = arith.constant 16 : i32
    %mul3A_13 = arith.muli %arg0, %mul3A_12 : i32
    "tpu.region"() ({
      %run_scoped3A = tpu.sem_alloc : memref<!tpu.dma_semaphore, #tpu.memory_space<semaphore_mem>>
      %dma_start3A = tpu.memref_slice %arg4[%arg1, %mul3A_13] : memref<16x32xf32, #tpu.memory_space<hbm>> -> memref<1x16xf32, #tpu.memory_space<hbm>>
      %dma_start3A_14 = tpu.memref_squeeze %dma_start3A : memref<1x16xf32, #tpu.memory_space<hbm>> -> memref<16xf32, #tpu.memory_space<hbm>>
      %dma_start3A_15 = tpu.memref_slice %arg4[%arg1, %mul3A_13] : memref<16x32xf32, #tpu.memory_space<hbm>> -> memref<1x16xf32, #tpu.memory_space<hbm>>
      %dma_start3A_16 = tpu.memref_squeeze %dma_start3A_15 : memref<1x16xf32, #tpu.memory_space<hbm>> -> memref<16xf32, #tpu.memory_space<hbm>>
      tpu.enqueue_dma source(%arg7 : memref<16xf32, #tpu.memory_space<vmem>>) target(%dma_start3A_16 : memref<16xf32, #tpu.memory_space<hbm>>) target_semaphore(%run_scoped3A : memref<!tpu.dma_semaphore, #tpu.memory_space<semaphore_mem>>)
      %dma_wait3A = tpu.memref_slice %arg4[%arg1, %mul3A_13] : memref<16x32xf32, #tpu.memory_space<hbm>> -> memref<1x16xf32, #tpu.memory_space<hbm>>
      %dma_wait3A_17 = tpu.memref_squeeze %dma_wait3A : memref<1x16xf32, #tpu.memory_space<hbm>> -> memref<16xf32, #tpu.memory_space<hbm>>
      %dma_wait3A_18 = tpu.memref_slice %arg4[%arg1, %mul3A_13] : memref<16x32xf32, #tpu.memory_space<hbm>> -> memref<1x16xf32, #tpu.memory_space<hbm>>
      %dma_wait3A_19 = tpu.memref_squeeze %dma_wait3A_18 : memref<1x16xf32, #tpu.memory_space<hbm>> -> memref<16xf32, #tpu.memory_space<hbm>>
      tpu.wait_dma2 semaphore(%run_scoped3A : memref<!tpu.dma_semaphore, #tpu.memory_space<semaphore_mem>>) src(%arg7 : memref<16xf32, #tpu.memory_space<vmem>>) dst(%dma_wait3A_19 : memref<16xf32, #tpu.memory_space<hbm>>)
      tpu.yield
    }) : () -> ()
    return
  }
}

module attributes {stable_mosaic.version = 14 : i64} {
  func.func @_tc_mlp_kernel(%arg0: memref<16x32xf32, #tpu.memory_space<vmem>>, %arg1: memref<16x1xi32, #tpu.memory_space<vmem>>, %arg2: memref<1x1024xf32, #tpu.memory_space<vmem>>, %arg3: memref<1x1024xf32, #tpu.memory_space<vmem>>, %arg4: memref<1024x1024xf32, #tpu.memory_space<any>>, %arg5: memref<1x1024xf32, #tpu.memory_space<vmem>>, %arg6: memref<1024x1024xf32, #tpu.memory_space<any>>, %arg7: memref<1x1024xf32, #tpu.memory_space<vmem>>, %arg8: memref<1024x1024xf32, #tpu.memory_space<any>>, %arg9: memref<1x1024xf32, #tpu.memory_space<vmem>>, %arg10: memref<1024x1024xf32, #tpu.memory_space<any>>, %arg11: memref<1x1024xf32, #tpu.memory_space<vmem>>, %arg12: memref<16x1024xf32, #tpu.memory_space<vmem>>, %arg13: memref<1024x1024xf32, #tpu.memory_space<vmem>>, %arg14: memref<1024x1024xf32, #tpu.memory_space<vmem>>, %arg15: memref<1024x1024xf32, #tpu.memory_space<vmem>>, %arg16: memref<1024x1024xf32, #tpu.memory_space<vmem>>, %arg17: memref<16x!tpu.dma_semaphore, #tpu.memory_space<semaphore_mem>>) attributes {dimension_semantics = [], scalar_prefetch = 0 : i64, scratch_operands = 5 : i64, tpu.core_type = #tpu.core_type<tc>} {
    %dma_start3A = arith.constant 0 : i32
    %dma_start3A_0 = tpu.memref_slice %arg17[%dma_start3A] : memref<16x!tpu.dma_semaphore, #tpu.memory_space<semaphore_mem>> -> memref<1x!tpu.dma_semaphore, #tpu.memory_space<semaphore_mem>>
    %dma_start3A_1 = tpu.memref_squeeze %dma_start3A_0 : memref<1x!tpu.dma_semaphore, #tpu.memory_space<semaphore_mem>> -> memref<!tpu.dma_semaphore, #tpu.memory_space<semaphore_mem>>
    %dma_start3A_2 = arith.constant 0 : i32
    %dma_start3A_3 = arith.constant 0 : i32
    %dma_start3A_4 = tpu.memref_slice %arg13[%dma_start3A_2, %dma_start3A_3] : memref<1024x1024xf32, #tpu.memory_space<vmem>> -> memref<256x1024xf32, #tpu.memory_space<vmem>>
    %dma_start3A_5 = arith.constant 0 : i32
    %dma_start3A_6 = arith.constant 0 : i32
    %dma_start3A_7 = tpu.memref_slice %arg4[%dma_start3A_5, %dma_start3A_6] : memref<1024x1024xf32, #tpu.memory_space<any>> -> memref<256x1024xf32, #tpu.memory_space<any>>
    tpu.enqueue_dma source(%dma_start3A_7 : memref<256x1024xf32, #tpu.memory_space<any>>) target(%dma_start3A_4 : memref<256x1024xf32, #tpu.memory_space<vmem>>) target_semaphore(%dma_start3A_1 : memref<!tpu.dma_semaphore, #tpu.memory_space<semaphore_mem>>)
    %dma_start3A_8 = arith.constant 1 : i32
    %dma_start3A_9 = tpu.memref_slice %arg17[%dma_start3A_8] : memref<16x!tpu.dma_semaphore, #tpu.memory_space<semaphore_mem>> -> memref<1x!tpu.dma_semaphore, #tpu.memory_space<semaphore_mem>>
    %dma_start3A_10 = tpu.memref_squeeze %dma_start3A_9 : memref<1x!tpu.dma_semaphore, #tpu.memory_space<semaphore_mem>> -> memref<!tpu.dma_semaphore, #tpu.memory_space<semaphore_mem>>
    %dma_start3A_11 = arith.constant 256 : i32
    %dma_start3A_12 = arith.constant 0 : i32
    %dma_start3A_13 = tpu.memref_slice %arg13[%dma_start3A_11, %dma_start3A_12] : memref<1024x1024xf32, #tpu.memory_space<vmem>> -> memref<256x1024xf32, #tpu.memory_space<vmem>>
    %dma_start3A_14 = arith.constant 256 : i32
    %dma_start3A_15 = arith.constant 0 : i32
    %dma_start3A_16 = tpu.memref_slice %arg4[%dma_start3A_14, %dma_start3A_15] : memref<1024x1024xf32, #tpu.memory_space<any>> -> memref<256x1024xf32, #tpu.memory_space<any>>
    tpu.enqueue_dma source(%dma_start3A_16 : memref<256x1024xf32, #tpu.memory_space<any>>) target(%dma_start3A_13 : memref<256x1024xf32, #tpu.memory_space<vmem>>) target_semaphore(%dma_start3A_10 : memref<!tpu.dma_semaphore, #tpu.memory_space<semaphore_mem>>)
    %dma_start3A_17 = arith.constant 2 : i32
    %dma_start3A_18 = tpu.memref_slice %arg17[%dma_start3A_17] : memref<16x!tpu.dma_semaphore, #tpu.memory_space<semaphore_mem>> -> memref<1x!tpu.dma_semaphore, #tpu.memory_space<semaphore_mem>>
    %dma_start3A_19 = tpu.memref_squeeze %dma_start3A_18 : memref<1x!tpu.dma_semaphore, #tpu.memory_space<semaphore_mem>> -> memref<!tpu.dma_semaphore, #tpu.memory_space<semaphore_mem>>
    %dma_start3A_20 = arith.constant 512 : i32
    %dma_start3A_21 = arith.constant 0 : i32
    %dma_start3A_22 = tpu.memref_slice %arg13[%dma_start3A_20, %dma_start3A_21] : memref<1024x1024xf32, #tpu.memory_space<vmem>> -> memref<256x1024xf32, #tpu.memory_space<vmem>>
    %dma_start3A_23 = arith.constant 512 : i32
    %dma_start3A_24 = arith.constant 0 : i32
    %dma_start3A_25 = tpu.memref_slice %arg4[%dma_start3A_23, %dma_start3A_24] : memref<1024x1024xf32, #tpu.memory_space<any>> -> memref<256x1024xf32, #tpu.memory_space<any>>
    tpu.enqueue_dma source(%dma_start3A_25 : memref<256x1024xf32, #tpu.memory_space<any>>) target(%dma_start3A_22 : memref<256x1024xf32, #tpu.memory_space<vmem>>) target_semaphore(%dma_start3A_19 : memref<!tpu.dma_semaphore, #tpu.memory_space<semaphore_mem>>)
    %dma_start3A_26 = arith.constant 3 : i32
    %dma_start3A_27 = tpu.memref_slice %arg17[%dma_start3A_26] : memref<16x!tpu.dma_semaphore, #tpu.memory_space<semaphore_mem>> -> memref<1x!tpu.dma_semaphore, #tpu.memory_space<semaphore_mem>>
    %dma_start3A_28 = tpu.memref_squeeze %dma_start3A_27 : memref<1x!tpu.dma_semaphore, #tpu.memory_space<semaphore_mem>> -> memref<!tpu.dma_semaphore, #tpu.memory_space<semaphore_mem>>
    %dma_start3A_29 = arith.constant 768 : i32
    %dma_start3A_30 = arith.constant 0 : i32
    %dma_start3A_31 = tpu.memref_slice %arg13[%dma_start3A_29, %dma_start3A_30] : memref<1024x1024xf32, #tpu.memory_space<vmem>> -> memref<256x1024xf32, #tpu.memory_space<vmem>>
    %dma_start3A_32 = arith.constant 768 : i32
    %dma_start3A_33 = arith.constant 0 : i32
    %dma_start3A_34 = tpu.memref_slice %arg4[%dma_start3A_32, %dma_start3A_33] : memref<1024x1024xf32, #tpu.memory_space<any>> -> memref<256x1024xf32, #tpu.memory_space<any>>
    tpu.enqueue_dma source(%dma_start3A_34 : memref<256x1024xf32, #tpu.memory_space<any>>) target(%dma_start3A_31 : memref<256x1024xf32, #tpu.memory_space<vmem>>) target_semaphore(%dma_start3A_28 : memref<!tpu.dma_semaphore, #tpu.memory_space<semaphore_mem>>)
    %dma_start3A_35 = arith.constant 4 : i32
    %dma_start3A_36 = tpu.memref_slice %arg17[%dma_start3A_35] : memref<16x!tpu.dma_semaphore, #tpu.memory_space<semaphore_mem>> -> memref<1x!tpu.dma_semaphore, #tpu.memory_space<semaphore_mem>>
    %dma_start3A_37 = tpu.memref_squeeze %dma_start3A_36 : memref<1x!tpu.dma_semaphore, #tpu.memory_space<semaphore_mem>> -> memref<!tpu.dma_semaphore, #tpu.memory_space<semaphore_mem>>
    %dma_start3A_38 = arith.constant 0 : i32
    %dma_start3A_39 = arith.constant 0 : i32
    %dma_start3A_40 = tpu.memref_slice %arg14[%dma_start3A_38, %dma_start3A_39] : memref<1024x1024xf32, #tpu.memory_space<vmem>> -> memref<256x1024xf32, #tpu.memory_space<vmem>>
    %dma_start3A_41 = arith.constant 0 : i32
    %dma_start3A_42 = arith.constant 0 : i32
    %dma_start3A_43 = tpu.memref_slice %arg6[%dma_start3A_41, %dma_start3A_42] : memref<1024x1024xf32, #tpu.memory_space<any>> -> memref<256x1024xf32, #tpu.memory_space<any>>
    tpu.enqueue_dma source(%dma_start3A_43 : memref<256x1024xf32, #tpu.memory_space<any>>) target(%dma_start3A_40 : memref<256x1024xf32, #tpu.memory_space<vmem>>) target_semaphore(%dma_start3A_37 : memref<!tpu.dma_semaphore, #tpu.memory_space<semaphore_mem>>)
    %dma_start3A_44 = arith.constant 5 : i32
    %dma_start3A_45 = tpu.memref_slice %arg17[%dma_start3A_44] : memref<16x!tpu.dma_semaphore, #tpu.memory_space<semaphore_mem>> -> memref<1x!tpu.dma_semaphore, #tpu.memory_space<semaphore_mem>>
    %dma_start3A_46 = tpu.memref_squeeze %dma_start3A_45 : memref<1x!tpu.dma_semaphore, #tpu.memory_space<semaphore_mem>> -> memref<!tpu.dma_semaphore, #tpu.memory_space<semaphore_mem>>
    %dma_start3A_47 = arith.constant 256 : i32
    %dma_start3A_48 = arith.constant 0 : i32
    %dma_start3A_49 = tpu.memref_slice %arg14[%dma_start3A_47, %dma_start3A_48] : memref<1024x1024xf32, #tpu.memory_space<vmem>> -> memref<256x1024xf32, #tpu.memory_space<vmem>>
    %dma_start3A_50 = arith.constant 256 : i32
    %dma_start3A_51 = arith.constant 0 : i32
    %dma_start3A_52 = tpu.memref_slice %arg6[%dma_start3A_50, %dma_start3A_51] : memref<1024x1024xf32, #tpu.memory_space<any>> -> memref<256x1024xf32, #tpu.memory_space<any>>
    tpu.enqueue_dma source(%dma_start3A_52 : memref<256x1024xf32, #tpu.memory_space<any>>) target(%dma_start3A_49 : memref<256x1024xf32, #tpu.memory_space<vmem>>) target_semaphore(%dma_start3A_46 : memref<!tpu.dma_semaphore, #tpu.memory_space<semaphore_mem>>)
    %dma_start3A_53 = arith.constant 6 : i32
    %dma_start3A_54 = tpu.memref_slice %arg17[%dma_start3A_53] : memref<16x!tpu.dma_semaphore, #tpu.memory_space<semaphore_mem>> -> memref<1x!tpu.dma_semaphore, #tpu.memory_space<semaphore_mem>>
    %dma_start3A_55 = tpu.memref_squeeze %dma_start3A_54 : memref<1x!tpu.dma_semaphore, #tpu.memory_space<semaphore_mem>> -> memref<!tpu.dma_semaphore, #tpu.memory_space<semaphore_mem>>
    %dma_start3A_56 = arith.constant 512 : i32
    %dma_start3A_57 = arith.constant 0 : i32
    %dma_start3A_58 = tpu.memref_slice %arg14[%dma_start3A_56, %dma_start3A_57] : memref<1024x1024xf32, #tpu.memory_space<vmem>> -> memref<256x1024xf32, #tpu.memory_space<vmem>>
    %dma_start3A_59 = arith.constant 512 : i32
    %dma_start3A_60 = arith.constant 0 : i32
    %dma_start3A_61 = tpu.memref_slice %arg6[%dma_start3A_59, %dma_start3A_60] : memref<1024x1024xf32, #tpu.memory_space<any>> -> memref<256x1024xf32, #tpu.memory_space<any>>
    tpu.enqueue_dma source(%dma_start3A_61 : memref<256x1024xf32, #tpu.memory_space<any>>) target(%dma_start3A_58 : memref<256x1024xf32, #tpu.memory_space<vmem>>) target_semaphore(%dma_start3A_55 : memref<!tpu.dma_semaphore, #tpu.memory_space<semaphore_mem>>)
    %dma_start3A_62 = arith.constant 7 : i32
    %dma_start3A_63 = tpu.memref_slice %arg17[%dma_start3A_62] : memref<16x!tpu.dma_semaphore, #tpu.memory_space<semaphore_mem>> -> memref<1x!tpu.dma_semaphore, #tpu.memory_space<semaphore_mem>>
    %dma_start3A_64 = tpu.memref_squeeze %dma_start3A_63 : memref<1x!tpu.dma_semaphore, #tpu.memory_space<semaphore_mem>> -> memref<!tpu.dma_semaphore, #tpu.memory_space<semaphore_mem>>
    %dma_start3A_65 = arith.constant 768 : i32
    %dma_start3A_66 = arith.constant 0 : i32
    %dma_start3A_67 = tpu.memref_slice %arg14[%dma_start3A_65, %dma_start3A_66] : memref<1024x1024xf32, #tpu.memory_space<vmem>> -> memref<256x1024xf32, #tpu.memory_space<vmem>>
    %dma_start3A_68 = arith.constant 768 : i32
    %dma_start3A_69 = arith.constant 0 : i32
    %dma_start3A_70 = tpu.memref_slice %arg6[%dma_start3A_68, %dma_start3A_69] : memref<1024x1024xf32, #tpu.memory_space<any>> -> memref<256x1024xf32, #tpu.memory_space<any>>
    tpu.enqueue_dma source(%dma_start3A_70 : memref<256x1024xf32, #tpu.memory_space<any>>) target(%dma_start3A_67 : memref<256x1024xf32, #tpu.memory_space<vmem>>) target_semaphore(%dma_start3A_64 : memref<!tpu.dma_semaphore, #tpu.memory_space<semaphore_mem>>)
    %dma_start3A_71 = arith.constant 8 : i32
    %dma_start3A_72 = tpu.memref_slice %arg17[%dma_start3A_71] : memref<16x!tpu.dma_semaphore, #tpu.memory_space<semaphore_mem>> -> memref<1x!tpu.dma_semaphore, #tpu.memory_space<semaphore_mem>>
    %dma_start3A_73 = tpu.memref_squeeze %dma_start3A_72 : memref<1x!tpu.dma_semaphore, #tpu.memory_space<semaphore_mem>> -> memref<!tpu.dma_semaphore, #tpu.memory_space<semaphore_mem>>
    %dma_start3A_74 = arith.constant 0 : i32
    %dma_start3A_75 = arith.constant 0 : i32
    %dma_start3A_76 = tpu.memref_slice %arg15[%dma_start3A_74, %dma_start3A_75] : memref<1024x1024xf32, #tpu.memory_space<vmem>> -> memref<256x1024xf32, #tpu.memory_space<vmem>>
    %dma_start3A_77 = arith.constant 0 : i32
    %dma_start3A_78 = arith.constant 0 : i32
    %dma_start3A_79 = tpu.memref_slice %arg8[%dma_start3A_77, %dma_start3A_78] : memref<1024x1024xf32, #tpu.memory_space<any>> -> memref<256x1024xf32, #tpu.memory_space<any>>
    tpu.enqueue_dma source(%dma_start3A_79 : memref<256x1024xf32, #tpu.memory_space<any>>) target(%dma_start3A_76 : memref<256x1024xf32, #tpu.memory_space<vmem>>) target_semaphore(%dma_start3A_73 : memref<!tpu.dma_semaphore, #tpu.memory_space<semaphore_mem>>)
    %dma_start3A_80 = arith.constant 9 : i32
    %dma_start3A_81 = tpu.memref_slice %arg17[%dma_start3A_80] : memref<16x!tpu.dma_semaphore, #tpu.memory_space<semaphore_mem>> -> memref<1x!tpu.dma_semaphore, #tpu.memory_space<semaphore_mem>>
    %dma_start3A_82 = tpu.memref_squeeze %dma_start3A_81 : memref<1x!tpu.dma_semaphore, #tpu.memory_space<semaphore_mem>> -> memref<!tpu.dma_semaphore, #tpu.memory_space<semaphore_mem>>
    %dma_start3A_83 = arith.constant 256 : i32
    %dma_start3A_84 = arith.constant 0 : i32
    %dma_start3A_85 = tpu.memref_slice %arg15[%dma_start3A_83, %dma_start3A_84] : memref<1024x1024xf32, #tpu.memory_space<vmem>> -> memref<256x1024xf32, #tpu.memory_space<vmem>>
    %dma_start3A_86 = arith.constant 256 : i32
    %dma_start3A_87 = arith.constant 0 : i32
    %dma_start3A_88 = tpu.memref_slice %arg8[%dma_start3A_86, %dma_start3A_87] : memref<1024x1024xf32, #tpu.memory_space<any>> -> memref<256x1024xf32, #tpu.memory_space<any>>
    tpu.enqueue_dma source(%dma_start3A_88 : memref<256x1024xf32, #tpu.memory_space<any>>) target(%dma_start3A_85 : memref<256x1024xf32, #tpu.memory_space<vmem>>) target_semaphore(%dma_start3A_82 : memref<!tpu.dma_semaphore, #tpu.memory_space<semaphore_mem>>)
    %dma_start3A_89 = arith.constant 10 : i32
    %dma_start3A_90 = tpu.memref_slice %arg17[%dma_start3A_89] : memref<16x!tpu.dma_semaphore, #tpu.memory_space<semaphore_mem>> -> memref<1x!tpu.dma_semaphore, #tpu.memory_space<semaphore_mem>>
    %dma_start3A_91 = tpu.memref_squeeze %dma_start3A_90 : memref<1x!tpu.dma_semaphore, #tpu.memory_space<semaphore_mem>> -> memref<!tpu.dma_semaphore, #tpu.memory_space<semaphore_mem>>
    %dma_start3A_92 = arith.constant 512 : i32
    %dma_start3A_93 = arith.constant 0 : i32
    %dma_start3A_94 = tpu.memref_slice %arg15[%dma_start3A_92, %dma_start3A_93] : memref<1024x1024xf32, #tpu.memory_space<vmem>> -> memref<256x1024xf32, #tpu.memory_space<vmem>>
    %dma_start3A_95 = arith.constant 512 : i32
    %dma_start3A_96 = arith.constant 0 : i32
    %dma_start3A_97 = tpu.memref_slice %arg8[%dma_start3A_95, %dma_start3A_96] : memref<1024x1024xf32, #tpu.memory_space<any>> -> memref<256x1024xf32, #tpu.memory_space<any>>
    tpu.enqueue_dma source(%dma_start3A_97 : memref<256x1024xf32, #tpu.memory_space<any>>) target(%dma_start3A_94 : memref<256x1024xf32, #tpu.memory_space<vmem>>) target_semaphore(%dma_start3A_91 : memref<!tpu.dma_semaphore, #tpu.memory_space<semaphore_mem>>)
    %dma_start3A_98 = arith.constant 11 : i32
    %dma_start3A_99 = tpu.memref_slice %arg17[%dma_start3A_98] : memref<16x!tpu.dma_semaphore, #tpu.memory_space<semaphore_mem>> -> memref<1x!tpu.dma_semaphore, #tpu.memory_space<semaphore_mem>>
    %dma_start3A_100 = tpu.memref_squeeze %dma_start3A_99 : memref<1x!tpu.dma_semaphore, #tpu.memory_space<semaphore_mem>> -> memref<!tpu.dma_semaphore, #tpu.memory_space<semaphore_mem>>
    %dma_start3A_101 = arith.constant 768 : i32
    %dma_start3A_102 = arith.constant 0 : i32
    %dma_start3A_103 = tpu.memref_slice %arg15[%dma_start3A_101, %dma_start3A_102] : memref<1024x1024xf32, #tpu.memory_space<vmem>> -> memref<256x1024xf32, #tpu.memory_space<vmem>>
    %dma_start3A_104 = arith.constant 768 : i32
    %dma_start3A_105 = arith.constant 0 : i32
    %dma_start3A_106 = tpu.memref_slice %arg8[%dma_start3A_104, %dma_start3A_105] : memref<1024x1024xf32, #tpu.memory_space<any>> -> memref<256x1024xf32, #tpu.memory_space<any>>
    tpu.enqueue_dma source(%dma_start3A_106 : memref<256x1024xf32, #tpu.memory_space<any>>) target(%dma_start3A_103 : memref<256x1024xf32, #tpu.memory_space<vmem>>) target_semaphore(%dma_start3A_100 : memref<!tpu.dma_semaphore, #tpu.memory_space<semaphore_mem>>)
    %dma_start3A_107 = arith.constant 12 : i32
    %dma_start3A_108 = tpu.memref_slice %arg17[%dma_start3A_107] : memref<16x!tpu.dma_semaphore, #tpu.memory_space<semaphore_mem>> -> memref<1x!tpu.dma_semaphore, #tpu.memory_space<semaphore_mem>>
    %dma_start3A_109 = tpu.memref_squeeze %dma_start3A_108 : memref<1x!tpu.dma_semaphore, #tpu.memory_space<semaphore_mem>> -> memref<!tpu.dma_semaphore, #tpu.memory_space<semaphore_mem>>
    %dma_start3A_110 = arith.constant 0 : i32
    %dma_start3A_111 = arith.constant 0 : i32
    %dma_start3A_112 = tpu.memref_slice %arg16[%dma_start3A_110, %dma_start3A_111] : memref<1024x1024xf32, #tpu.memory_space<vmem>> -> memref<256x1024xf32, #tpu.memory_space<vmem>>
    %dma_start3A_113 = arith.constant 0 : i32
    %dma_start3A_114 = arith.constant 0 : i32
    %dma_start3A_115 = tpu.memref_slice %arg10[%dma_start3A_113, %dma_start3A_114] : memref<1024x1024xf32, #tpu.memory_space<any>> -> memref<256x1024xf32, #tpu.memory_space<any>>
    tpu.enqueue_dma source(%dma_start3A_115 : memref<256x1024xf32, #tpu.memory_space<any>>) target(%dma_start3A_112 : memref<256x1024xf32, #tpu.memory_space<vmem>>) target_semaphore(%dma_start3A_109 : memref<!tpu.dma_semaphore, #tpu.memory_space<semaphore_mem>>)
    %dma_start3A_116 = arith.constant 13 : i32
    %dma_start3A_117 = tpu.memref_slice %arg17[%dma_start3A_116] : memref<16x!tpu.dma_semaphore, #tpu.memory_space<semaphore_mem>> -> memref<1x!tpu.dma_semaphore, #tpu.memory_space<semaphore_mem>>
    %dma_start3A_118 = tpu.memref_squeeze %dma_start3A_117 : memref<1x!tpu.dma_semaphore, #tpu.memory_space<semaphore_mem>> -> memref<!tpu.dma_semaphore, #tpu.memory_space<semaphore_mem>>
    %dma_start3A_119 = arith.constant 256 : i32
    %dma_start3A_120 = arith.constant 0 : i32
    %dma_start3A_121 = tpu.memref_slice %arg16[%dma_start3A_119, %dma_start3A_120] : memref<1024x1024xf32, #tpu.memory_space<vmem>> -> memref<256x1024xf32, #tpu.memory_space<vmem>>
    %dma_start3A_122 = arith.constant 256 : i32
    %dma_start3A_123 = arith.constant 0 : i32
    %dma_start3A_124 = tpu.memref_slice %arg10[%dma_start3A_122, %dma_start3A_123] : memref<1024x1024xf32, #tpu.memory_space<any>> -> memref<256x1024xf32, #tpu.memory_space<any>>
    tpu.enqueue_dma source(%dma_start3A_124 : memref<256x1024xf32, #tpu.memory_space<any>>) target(%dma_start3A_121 : memref<256x1024xf32, #tpu.memory_space<vmem>>) target_semaphore(%dma_start3A_118 : memref<!tpu.dma_semaphore, #tpu.memory_space<semaphore_mem>>)
    %dma_start3A_125 = arith.constant 14 : i32
    %dma_start3A_126 = tpu.memref_slice %arg17[%dma_start3A_125] : memref<16x!tpu.dma_semaphore, #tpu.memory_space<semaphore_mem>> -> memref<1x!tpu.dma_semaphore, #tpu.memory_space<semaphore_mem>>
    %dma_start3A_127 = tpu.memref_squeeze %dma_start3A_126 : memref<1x!tpu.dma_semaphore, #tpu.memory_space<semaphore_mem>> -> memref<!tpu.dma_semaphore, #tpu.memory_space<semaphore_mem>>
    %dma_start3A_128 = arith.constant 512 : i32
    %dma_start3A_129 = arith.constant 0 : i32
    %dma_start3A_130 = tpu.memref_slice %arg16[%dma_start3A_128, %dma_start3A_129] : memref<1024x1024xf32, #tpu.memory_space<vmem>> -> memref<256x1024xf32, #tpu.memory_space<vmem>>
    %dma_start3A_131 = arith.constant 512 : i32
    %dma_start3A_132 = arith.constant 0 : i32
    %dma_start3A_133 = tpu.memref_slice %arg10[%dma_start3A_131, %dma_start3A_132] : memref<1024x1024xf32, #tpu.memory_space<any>> -> memref<256x1024xf32, #tpu.memory_space<any>>
    tpu.enqueue_dma source(%dma_start3A_133 : memref<256x1024xf32, #tpu.memory_space<any>>) target(%dma_start3A_130 : memref<256x1024xf32, #tpu.memory_space<vmem>>) target_semaphore(%dma_start3A_127 : memref<!tpu.dma_semaphore, #tpu.memory_space<semaphore_mem>>)
    %dma_start3A_134 = arith.constant 15 : i32
    %dma_start3A_135 = tpu.memref_slice %arg17[%dma_start3A_134] : memref<16x!tpu.dma_semaphore, #tpu.memory_space<semaphore_mem>> -> memref<1x!tpu.dma_semaphore, #tpu.memory_space<semaphore_mem>>
    %dma_start3A_136 = tpu.memref_squeeze %dma_start3A_135 : memref<1x!tpu.dma_semaphore, #tpu.memory_space<semaphore_mem>> -> memref<!tpu.dma_semaphore, #tpu.memory_space<semaphore_mem>>
    %dma_start3A_137 = arith.constant 768 : i32
    %dma_start3A_138 = arith.constant 0 : i32
    %dma_start3A_139 = tpu.memref_slice %arg16[%dma_start3A_137, %dma_start3A_138] : memref<1024x1024xf32, #tpu.memory_space<vmem>> -> memref<256x1024xf32, #tpu.memory_space<vmem>>
    %dma_start3A_140 = arith.constant 768 : i32
    %dma_start3A_141 = arith.constant 0 : i32
    %dma_start3A_142 = tpu.memref_slice %arg10[%dma_start3A_140, %dma_start3A_141] : memref<1024x1024xf32, #tpu.memory_space<any>> -> memref<256x1024xf32, #tpu.memory_space<any>>
    tpu.enqueue_dma source(%dma_start3A_142 : memref<256x1024xf32, #tpu.memory_space<any>>) target(%dma_start3A_139 : memref<256x1024xf32, #tpu.memory_space<vmem>>) target_semaphore(%dma_start3A_136 : memref<!tpu.dma_semaphore, #tpu.memory_space<semaphore_mem>>)
    %get3A = arith.constant 0 : index
    %get3A_143 = arith.constant 0 : index
    %get3A_144 = vector.load %arg0[%get3A, %get3A_143] : memref<16x32xf32, #tpu.memory_space<vmem>>, vector<16x32xf32>
    %reduce_sum3A = arith.constant dense<0.000000e+00> : vector<16xf32>
    %reduce_sum3A_145 = vector.multi_reduction <add>, %get3A_144, %reduce_sum3A [1] : vector<16x32xf32> to vector<16xf32>
    %broadcast_in_dim3A = vector.shape_cast %reduce_sum3A_145 : vector<16xf32> to vector<16x1xf32>
    %get3A_146 = arith.constant 0 : index
    %get3A_147 = arith.constant 0 : index
    %get3A_148 = vector.load %arg1[%get3A_146, %get3A_147] : memref<16x1xi32, #tpu.memory_space<vmem>>, vector<16x1xi32>
    %convert_element_type3A = arith.sitofp %get3A_148 : vector<16x1xi32> to vector<16x1xf32>
    %get3A_149 = arith.constant 0 : index
    %get3A_150 = arith.constant 0 : index
    %get3A_151 = vector.load %arg2[%get3A_149, %get3A_150] : memref<1x1024xf32, #tpu.memory_space<vmem>>, vector<1x1024xf32>
    %mul3A = vector.broadcast %broadcast_in_dim3A : vector<16x1xf32> to vector<16x1024xf32>
    %mul3A_152 = vector.broadcast %get3A_151 : vector<1x1024xf32> to vector<16x1024xf32>
    %mul3A_153 = arith.mulf %mul3A, %mul3A_152 : vector<16x1024xf32>
    %get3A_154 = arith.constant 0 : index
    %get3A_155 = arith.constant 0 : index
    %get3A_156 = vector.load %arg3[%get3A_154, %get3A_155] : memref<1x1024xf32, #tpu.memory_space<vmem>>, vector<1x1024xf32>
    %mul3A_157 = vector.broadcast %convert_element_type3A : vector<16x1xf32> to vector<16x1024xf32>
    %mul3A_158 = vector.broadcast %get3A_156 : vector<1x1024xf32> to vector<16x1024xf32>
    %mul3A_159 = arith.mulf %mul3A_157, %mul3A_158 : vector<16x1024xf32>
    %add3A = arith.addf %mul3A_153, %mul3A_159 : vector<16x1024xf32>
    %get3A_160 = arith.constant 0 : index
    %get3A_161 = arith.constant 0 : index
    %get3A_162 = vector.load %arg5[%get3A_160, %get3A_161] : memref<1x1024xf32, #tpu.memory_space<vmem>>, vector<1x1024xf32>
    %dma_wait3A = arith.constant 0 : i32
    %dma_wait3A_163 = tpu.memref_slice %arg17[%dma_wait3A] : memref<16x!tpu.dma_semaphore, #tpu.memory_space<semaphore_mem>> -> memref<1x!tpu.dma_semaphore, #tpu.memory_space<semaphore_mem>>
    %dma_wait3A_164 = tpu.memref_squeeze %dma_wait3A_163 : memref<1x!tpu.dma_semaphore, #tpu.memory_space<semaphore_mem>> -> memref<!tpu.dma_semaphore, #tpu.memory_space<semaphore_mem>>
    %dma_wait3A_165 = arith.constant 0 : i32
    %dma_wait3A_166 = arith.constant 0 : i32
    %dma_wait3A_167 = tpu.memref_slice %arg13[%dma_wait3A_165, %dma_wait3A_166] : memref<1024x1024xf32, #tpu.memory_space<vmem>> -> memref<256x1024xf32, #tpu.memory_space<vmem>>
    %dma_wait3A_168 = arith.constant 0 : i32
    %dma_wait3A_169 = arith.constant 0 : i32
    %dma_wait3A_170 = tpu.memref_slice %arg4[%dma_wait3A_168, %dma_wait3A_169] : memref<1024x1024xf32, #tpu.memory_space<any>> -> memref<256x1024xf32, #tpu.memory_space<any>>
    tpu.wait_dma2 semaphore(%dma_wait3A_164 : memref<!tpu.dma_semaphore, #tpu.memory_space<semaphore_mem>>) src(%dma_wait3A_170 : memref<256x1024xf32, #tpu.memory_space<any>>) dst(%dma_wait3A_167 : memref<256x1024xf32, #tpu.memory_space<vmem>>)
    %slice3A = vector.extract_strided_slice %add3A {offsets = [0, 0], sizes = [16, 256], strides = [1, 1]} : vector<16x1024xf32> to vector<16x256xf32>
    %get3A_171 = arith.constant 0 : index
    %get3A_172 = arith.constant 0 : index
    %get3A_173 = vector.load %arg13[%get3A_171, %get3A_172] : memref<1024x1024xf32, #tpu.memory_space<vmem>>, vector<256x1024xf32>
    %dot_general3A = arith.constant dense<0.000000e+00> : vector<16x1024xf32>
    %dot_general3A_174 = tpu.matmul %slice3A, %get3A_173, %dot_general3A {dimension_numbers = #tpu.dot_dimension_numbers<[1], [0], [0], [1], [0, 0, 1, 1], [], []>, transpose_lhs_hint = false} : vector<16x256xf32>, vector<256x1024xf32>, vector<16x1024xf32> -> vector<16x1024xf32>
    %add3A_175 = vector.broadcast %get3A_162 : vector<1x1024xf32> to vector<16x1024xf32>
    %add3A_176 = arith.addf %add3A_175, %dot_general3A_174 : vector<16x1024xf32>
    %dma_wait3A_177 = arith.constant 1 : i32
    %dma_wait3A_178 = tpu.memref_slice %arg17[%dma_wait3A_177] : memref<16x!tpu.dma_semaphore, #tpu.memory_space<semaphore_mem>> -> memref<1x!tpu.dma_semaphore, #tpu.memory_space<semaphore_mem>>
    %dma_wait3A_179 = tpu.memref_squeeze %dma_wait3A_178 : memref<1x!tpu.dma_semaphore, #tpu.memory_space<semaphore_mem>> -> memref<!tpu.dma_semaphore, #tpu.memory_space<semaphore_mem>>
    %dma_wait3A_180 = arith.constant 256 : i32
    %dma_wait3A_181 = arith.constant 0 : i32
    %dma_wait3A_182 = tpu.memref_slice %arg13[%dma_wait3A_180, %dma_wait3A_181] : memref<1024x1024xf32, #tpu.memory_space<vmem>> -> memref<256x1024xf32, #tpu.memory_space<vmem>>
    %dma_wait3A_183 = arith.constant 256 : i32
    %dma_wait3A_184 = arith.constant 0 : i32
    %dma_wait3A_185 = tpu.memref_slice %arg4[%dma_wait3A_183, %dma_wait3A_184] : memref<1024x1024xf32, #tpu.memory_space<any>> -> memref<256x1024xf32, #tpu.memory_space<any>>
    tpu.wait_dma2 semaphore(%dma_wait3A_179 : memref<!tpu.dma_semaphore, #tpu.memory_space<semaphore_mem>>) src(%dma_wait3A_185 : memref<256x1024xf32, #tpu.memory_space<any>>) dst(%dma_wait3A_182 : memref<256x1024xf32, #tpu.memory_space<vmem>>)
    %slice3A_186 = vector.extract_strided_slice %add3A {offsets = [0, 256], sizes = [16, 256], strides = [1, 1]} : vector<16x1024xf32> to vector<16x256xf32>
    %get3A_187 = arith.constant 256 : index
    %get3A_188 = arith.constant 0 : index
    %get3A_189 = vector.load %arg13[%get3A_187, %get3A_188] : memref<1024x1024xf32, #tpu.memory_space<vmem>>, vector<256x1024xf32>
    %dot_general3A_190 = arith.constant dense<0.000000e+00> : vector<16x1024xf32>
    %dot_general3A_191 = tpu.matmul %slice3A_186, %get3A_189, %dot_general3A_190 {dimension_numbers = #tpu.dot_dimension_numbers<[1], [0], [0], [1], [0, 0, 1, 1], [], []>, transpose_lhs_hint = false} : vector<16x256xf32>, vector<256x1024xf32>, vector<16x1024xf32> -> vector<16x1024xf32>
    %add3A_192 = arith.addf %add3A_176, %dot_general3A_191 : vector<16x1024xf32>
    %dma_wait3A_193 = arith.constant 2 : i32
    %dma_wait3A_194 = tpu.memref_slice %arg17[%dma_wait3A_193] : memref<16x!tpu.dma_semaphore, #tpu.memory_space<semaphore_mem>> -> memref<1x!tpu.dma_semaphore, #tpu.memory_space<semaphore_mem>>
    %dma_wait3A_195 = tpu.memref_squeeze %dma_wait3A_194 : memref<1x!tpu.dma_semaphore, #tpu.memory_space<semaphore_mem>> -> memref<!tpu.dma_semaphore, #tpu.memory_space<semaphore_mem>>
    %dma_wait3A_196 = arith.constant 512 : i32
    %dma_wait3A_197 = arith.constant 0 : i32
    %dma_wait3A_198 = tpu.memref_slice %arg13[%dma_wait3A_196, %dma_wait3A_197] : memref<1024x1024xf32, #tpu.memory_space<vmem>> -> memref<256x1024xf32, #tpu.memory_space<vmem>>
    %dma_wait3A_199 = arith.constant 512 : i32
    %dma_wait3A_200 = arith.constant 0 : i32
    %dma_wait3A_201 = tpu.memref_slice %arg4[%dma_wait3A_199, %dma_wait3A_200] : memref<1024x1024xf32, #tpu.memory_space<any>> -> memref<256x1024xf32, #tpu.memory_space<any>>
    tpu.wait_dma2 semaphore(%dma_wait3A_195 : memref<!tpu.dma_semaphore, #tpu.memory_space<semaphore_mem>>) src(%dma_wait3A_201 : memref<256x1024xf32, #tpu.memory_space<any>>) dst(%dma_wait3A_198 : memref<256x1024xf32, #tpu.memory_space<vmem>>)
    %slice3A_202 = vector.extract_strided_slice %add3A {offsets = [0, 512], sizes = [16, 256], strides = [1, 1]} : vector<16x1024xf32> to vector<16x256xf32>
    %get3A_203 = arith.constant 512 : index
    %get3A_204 = arith.constant 0 : index
    %get3A_205 = vector.load %arg13[%get3A_203, %get3A_204] : memref<1024x1024xf32, #tpu.memory_space<vmem>>, vector<256x1024xf32>
    %dot_general3A_206 = arith.constant dense<0.000000e+00> : vector<16x1024xf32>
    %dot_general3A_207 = tpu.matmul %slice3A_202, %get3A_205, %dot_general3A_206 {dimension_numbers = #tpu.dot_dimension_numbers<[1], [0], [0], [1], [0, 0, 1, 1], [], []>, transpose_lhs_hint = false} : vector<16x256xf32>, vector<256x1024xf32>, vector<16x1024xf32> -> vector<16x1024xf32>
    %add3A_208 = arith.addf %add3A_192, %dot_general3A_207 : vector<16x1024xf32>
    %dma_wait3A_209 = arith.constant 3 : i32
    %dma_wait3A_210 = tpu.memref_slice %arg17[%dma_wait3A_209] : memref<16x!tpu.dma_semaphore, #tpu.memory_space<semaphore_mem>> -> memref<1x!tpu.dma_semaphore, #tpu.memory_space<semaphore_mem>>
    %dma_wait3A_211 = tpu.memref_squeeze %dma_wait3A_210 : memref<1x!tpu.dma_semaphore, #tpu.memory_space<semaphore_mem>> -> memref<!tpu.dma_semaphore, #tpu.memory_space<semaphore_mem>>
    %dma_wait3A_212 = arith.constant 768 : i32
    %dma_wait3A_213 = arith.constant 0 : i32
    %dma_wait3A_214 = tpu.memref_slice %arg13[%dma_wait3A_212, %dma_wait3A_213] : memref<1024x1024xf32, #tpu.memory_space<vmem>> -> memref<256x1024xf32, #tpu.memory_space<vmem>>
    %dma_wait3A_215 = arith.constant 768 : i32
    %dma_wait3A_216 = arith.constant 0 : i32
    %dma_wait3A_217 = tpu.memref_slice %arg4[%dma_wait3A_215, %dma_wait3A_216] : memref<1024x1024xf32, #tpu.memory_space<any>> -> memref<256x1024xf32, #tpu.memory_space<any>>
    tpu.wait_dma2 semaphore(%dma_wait3A_211 : memref<!tpu.dma_semaphore, #tpu.memory_space<semaphore_mem>>) src(%dma_wait3A_217 : memref<256x1024xf32, #tpu.memory_space<any>>) dst(%dma_wait3A_214 : memref<256x1024xf32, #tpu.memory_space<vmem>>)
    %slice3A_218 = vector.extract_strided_slice %add3A {offsets = [0, 768], sizes = [16, 256], strides = [1, 1]} : vector<16x1024xf32> to vector<16x256xf32>
    %get3A_219 = arith.constant 768 : index
    %get3A_220 = arith.constant 0 : index
    %get3A_221 = vector.load %arg13[%get3A_219, %get3A_220] : memref<1024x1024xf32, #tpu.memory_space<vmem>>, vector<256x1024xf32>
    %dot_general3A_222 = arith.constant dense<0.000000e+00> : vector<16x1024xf32>
    %dot_general3A_223 = tpu.matmul %slice3A_218, %get3A_221, %dot_general3A_222 {dimension_numbers = #tpu.dot_dimension_numbers<[1], [0], [0], [1], [0, 0, 1, 1], [], []>, transpose_lhs_hint = false} : vector<16x256xf32>, vector<256x1024xf32>, vector<16x1024xf32> -> vector<16x1024xf32>
    %add3A_224 = arith.addf %add3A_208, %dot_general3A_223 : vector<16x1024xf32>
    %max3A = arith.constant 0.000000e+00 : f32
    %max3A_225 = vector.broadcast %max3A : f32 to vector<16x1024xf32>
    %max3A_226 = arith.maximumf %add3A_224, %max3A_225 : vector<16x1024xf32>
    %get3A_227 = arith.constant 0 : index
    %get3A_228 = arith.constant 0 : index
    %get3A_229 = vector.load %arg7[%get3A_227, %get3A_228] : memref<1x1024xf32, #tpu.memory_space<vmem>>, vector<1x1024xf32>
    %dma_wait3A_230 = arith.constant 4 : i32
    %dma_wait3A_231 = tpu.memref_slice %arg17[%dma_wait3A_230] : memref<16x!tpu.dma_semaphore, #tpu.memory_space<semaphore_mem>> -> memref<1x!tpu.dma_semaphore, #tpu.memory_space<semaphore_mem>>
    %dma_wait3A_232 = tpu.memref_squeeze %dma_wait3A_231 : memref<1x!tpu.dma_semaphore, #tpu.memory_space<semaphore_mem>> -> memref<!tpu.dma_semaphore, #tpu.memory_space<semaphore_mem>>
    %dma_wait3A_233 = arith.constant 0 : i32
    %dma_wait3A_234 = arith.constant 0 : i32
    %dma_wait3A_235 = tpu.memref_slice %arg14[%dma_wait3A_233, %dma_wait3A_234] : memref<1024x1024xf32, #tpu.memory_space<vmem>> -> memref<256x1024xf32, #tpu.memory_space<vmem>>
    %dma_wait3A_236 = arith.constant 0 : i32
    %dma_wait3A_237 = arith.constant 0 : i32
    %dma_wait3A_238 = tpu.memref_slice %arg6[%dma_wait3A_236, %dma_wait3A_237] : memref<1024x1024xf32, #tpu.memory_space<any>> -> memref<256x1024xf32, #tpu.memory_space<any>>
    tpu.wait_dma2 semaphore(%dma_wait3A_232 : memref<!tpu.dma_semaphore, #tpu.memory_space<semaphore_mem>>) src(%dma_wait3A_238 : memref<256x1024xf32, #tpu.memory_space<any>>) dst(%dma_wait3A_235 : memref<256x1024xf32, #tpu.memory_space<vmem>>)
    %slice3A_239 = vector.extract_strided_slice %max3A_226 {offsets = [0, 0], sizes = [16, 256], strides = [1, 1]} : vector<16x1024xf32> to vector<16x256xf32>
    %get3A_240 = arith.constant 0 : index
    %get3A_241 = arith.constant 0 : index
    %get3A_242 = vector.load %arg14[%get3A_240, %get3A_241] : memref<1024x1024xf32, #tpu.memory_space<vmem>>, vector<256x1024xf32>
    %dot_general3A_243 = arith.constant dense<0.000000e+00> : vector<16x1024xf32>
    %dot_general3A_244 = tpu.matmul %slice3A_239, %get3A_242, %dot_general3A_243 {dimension_numbers = #tpu.dot_dimension_numbers<[1], [0], [0], [1], [0, 0, 1, 1], [], []>, transpose_lhs_hint = false} : vector<16x256xf32>, vector<256x1024xf32>, vector<16x1024xf32> -> vector<16x1024xf32>
    %add3A_245 = vector.broadcast %get3A_229 : vector<1x1024xf32> to vector<16x1024xf32>
    %add3A_246 = arith.addf %add3A_245, %dot_general3A_244 : vector<16x1024xf32>
    %dma_wait3A_247 = arith.constant 5 : i32
    %dma_wait3A_248 = tpu.memref_slice %arg17[%dma_wait3A_247] : memref<16x!tpu.dma_semaphore, #tpu.memory_space<semaphore_mem>> -> memref<1x!tpu.dma_semaphore, #tpu.memory_space<semaphore_mem>>
    %dma_wait3A_249 = tpu.memref_squeeze %dma_wait3A_248 : memref<1x!tpu.dma_semaphore, #tpu.memory_space<semaphore_mem>> -> memref<!tpu.dma_semaphore, #tpu.memory_space<semaphore_mem>>
    %dma_wait3A_250 = arith.constant 256 : i32
    %dma_wait3A_251 = arith.constant 0 : i32
    %dma_wait3A_252 = tpu.memref_slice %arg14[%dma_wait3A_250, %dma_wait3A_251] : memref<1024x1024xf32, #tpu.memory_space<vmem>> -> memref<256x1024xf32, #tpu.memory_space<vmem>>
    %dma_wait3A_253 = arith.constant 256 : i32
    %dma_wait3A_254 = arith.constant 0 : i32
    %dma_wait3A_255 = tpu.memref_slice %arg6[%dma_wait3A_253, %dma_wait3A_254] : memref<1024x1024xf32, #tpu.memory_space<any>> -> memref<256x1024xf32, #tpu.memory_space<any>>
    tpu.wait_dma2 semaphore(%dma_wait3A_249 : memref<!tpu.dma_semaphore, #tpu.memory_space<semaphore_mem>>) src(%dma_wait3A_255 : memref<256x1024xf32, #tpu.memory_space<any>>) dst(%dma_wait3A_252 : memref<256x1024xf32, #tpu.memory_space<vmem>>)
    %slice3A_256 = vector.extract_strided_slice %max3A_226 {offsets = [0, 256], sizes = [16, 256], strides = [1, 1]} : vector<16x1024xf32> to vector<16x256xf32>
    %get3A_257 = arith.constant 256 : index
    %get3A_258 = arith.constant 0 : index
    %get3A_259 = vector.load %arg14[%get3A_257, %get3A_258] : memref<1024x1024xf32, #tpu.memory_space<vmem>>, vector<256x1024xf32>
    %dot_general3A_260 = arith.constant dense<0.000000e+00> : vector<16x1024xf32>
    %dot_general3A_261 = tpu.matmul %slice3A_256, %get3A_259, %dot_general3A_260 {dimension_numbers = #tpu.dot_dimension_numbers<[1], [0], [0], [1], [0, 0, 1, 1], [], []>, transpose_lhs_hint = false} : vector<16x256xf32>, vector<256x1024xf32>, vector<16x1024xf32> -> vector<16x1024xf32>
    %add3A_262 = arith.addf %add3A_246, %dot_general3A_261 : vector<16x1024xf32>
    %dma_wait3A_263 = arith.constant 6 : i32
    %dma_wait3A_264 = tpu.memref_slice %arg17[%dma_wait3A_263] : memref<16x!tpu.dma_semaphore, #tpu.memory_space<semaphore_mem>> -> memref<1x!tpu.dma_semaphore, #tpu.memory_space<semaphore_mem>>
    %dma_wait3A_265 = tpu.memref_squeeze %dma_wait3A_264 : memref<1x!tpu.dma_semaphore, #tpu.memory_space<semaphore_mem>> -> memref<!tpu.dma_semaphore, #tpu.memory_space<semaphore_mem>>
    %dma_wait3A_266 = arith.constant 512 : i32
    %dma_wait3A_267 = arith.constant 0 : i32
    %dma_wait3A_268 = tpu.memref_slice %arg14[%dma_wait3A_266, %dma_wait3A_267] : memref<1024x1024xf32, #tpu.memory_space<vmem>> -> memref<256x1024xf32, #tpu.memory_space<vmem>>
    %dma_wait3A_269 = arith.constant 512 : i32
    %dma_wait3A_270 = arith.constant 0 : i32
    %dma_wait3A_271 = tpu.memref_slice %arg6[%dma_wait3A_269, %dma_wait3A_270] : memref<1024x1024xf32, #tpu.memory_space<any>> -> memref<256x1024xf32, #tpu.memory_space<any>>
    tpu.wait_dma2 semaphore(%dma_wait3A_265 : memref<!tpu.dma_semaphore, #tpu.memory_space<semaphore_mem>>) src(%dma_wait3A_271 : memref<256x1024xf32, #tpu.memory_space<any>>) dst(%dma_wait3A_268 : memref<256x1024xf32, #tpu.memory_space<vmem>>)
    %slice3A_272 = vector.extract_strided_slice %max3A_226 {offsets = [0, 512], sizes = [16, 256], strides = [1, 1]} : vector<16x1024xf32> to vector<16x256xf32>
    %get3A_273 = arith.constant 512 : index
    %get3A_274 = arith.constant 0 : index
    %get3A_275 = vector.load %arg14[%get3A_273, %get3A_274] : memref<1024x1024xf32, #tpu.memory_space<vmem>>, vector<256x1024xf32>
    %dot_general3A_276 = arith.constant dense<0.000000e+00> : vector<16x1024xf32>
    %dot_general3A_277 = tpu.matmul %slice3A_272, %get3A_275, %dot_general3A_276 {dimension_numbers = #tpu.dot_dimension_numbers<[1], [0], [0], [1], [0, 0, 1, 1], [], []>, transpose_lhs_hint = false} : vector<16x256xf32>, vector<256x1024xf32>, vector<16x1024xf32> -> vector<16x1024xf32>
    %add3A_278 = arith.addf %add3A_262, %dot_general3A_277 : vector<16x1024xf32>
    %dma_wait3A_279 = arith.constant 7 : i32
    %dma_wait3A_280 = tpu.memref_slice %arg17[%dma_wait3A_279] : memref<16x!tpu.dma_semaphore, #tpu.memory_space<semaphore_mem>> -> memref<1x!tpu.dma_semaphore, #tpu.memory_space<semaphore_mem>>
    %dma_wait3A_281 = tpu.memref_squeeze %dma_wait3A_280 : memref<1x!tpu.dma_semaphore, #tpu.memory_space<semaphore_mem>> -> memref<!tpu.dma_semaphore, #tpu.memory_space<semaphore_mem>>
    %dma_wait3A_282 = arith.constant 768 : i32
    %dma_wait3A_283 = arith.constant 0 : i32
    %dma_wait3A_284 = tpu.memref_slice %arg14[%dma_wait3A_282, %dma_wait3A_283] : memref<1024x1024xf32, #tpu.memory_space<vmem>> -> memref<256x1024xf32, #tpu.memory_space<vmem>>
    %dma_wait3A_285 = arith.constant 768 : i32
    %dma_wait3A_286 = arith.constant 0 : i32
    %dma_wait3A_287 = tpu.memref_slice %arg6[%dma_wait3A_285, %dma_wait3A_286] : memref<1024x1024xf32, #tpu.memory_space<any>> -> memref<256x1024xf32, #tpu.memory_space<any>>
    tpu.wait_dma2 semaphore(%dma_wait3A_281 : memref<!tpu.dma_semaphore, #tpu.memory_space<semaphore_mem>>) src(%dma_wait3A_287 : memref<256x1024xf32, #tpu.memory_space<any>>) dst(%dma_wait3A_284 : memref<256x1024xf32, #tpu.memory_space<vmem>>)
    %slice3A_288 = vector.extract_strided_slice %max3A_226 {offsets = [0, 768], sizes = [16, 256], strides = [1, 1]} : vector<16x1024xf32> to vector<16x256xf32>
    %get3A_289 = arith.constant 768 : index
    %get3A_290 = arith.constant 0 : index
    %get3A_291 = vector.load %arg14[%get3A_289, %get3A_290] : memref<1024x1024xf32, #tpu.memory_space<vmem>>, vector<256x1024xf32>
    %dot_general3A_292 = arith.constant dense<0.000000e+00> : vector<16x1024xf32>
    %dot_general3A_293 = tpu.matmul %slice3A_288, %get3A_291, %dot_general3A_292 {dimension_numbers = #tpu.dot_dimension_numbers<[1], [0], [0], [1], [0, 0, 1, 1], [], []>, transpose_lhs_hint = false} : vector<16x256xf32>, vector<256x1024xf32>, vector<16x1024xf32> -> vector<16x1024xf32>
    %add3A_294 = arith.addf %add3A_278, %dot_general3A_293 : vector<16x1024xf32>
    %max3A_295 = arith.constant 0.000000e+00 : f32
    %max3A_296 = vector.broadcast %max3A_295 : f32 to vector<16x1024xf32>
    %max3A_297 = arith.maximumf %add3A_294, %max3A_296 : vector<16x1024xf32>
    %get3A_298 = arith.constant 0 : index
    %get3A_299 = arith.constant 0 : index
    %get3A_300 = vector.load %arg9[%get3A_298, %get3A_299] : memref<1x1024xf32, #tpu.memory_space<vmem>>, vector<1x1024xf32>
    %dma_wait3A_301 = arith.constant 8 : i32
    %dma_wait3A_302 = tpu.memref_slice %arg17[%dma_wait3A_301] : memref<16x!tpu.dma_semaphore, #tpu.memory_space<semaphore_mem>> -> memref<1x!tpu.dma_semaphore, #tpu.memory_space<semaphore_mem>>
    %dma_wait3A_303 = tpu.memref_squeeze %dma_wait3A_302 : memref<1x!tpu.dma_semaphore, #tpu.memory_space<semaphore_mem>> -> memref<!tpu.dma_semaphore, #tpu.memory_space<semaphore_mem>>
    %dma_wait3A_304 = arith.constant 0 : i32
    %dma_wait3A_305 = arith.constant 0 : i32
    %dma_wait3A_306 = tpu.memref_slice %arg15[%dma_wait3A_304, %dma_wait3A_305] : memref<1024x1024xf32, #tpu.memory_space<vmem>> -> memref<256x1024xf32, #tpu.memory_space<vmem>>
    %dma_wait3A_307 = arith.constant 0 : i32
    %dma_wait3A_308 = arith.constant 0 : i32
    %dma_wait3A_309 = tpu.memref_slice %arg8[%dma_wait3A_307, %dma_wait3A_308] : memref<1024x1024xf32, #tpu.memory_space<any>> -> memref<256x1024xf32, #tpu.memory_space<any>>
    tpu.wait_dma2 semaphore(%dma_wait3A_303 : memref<!tpu.dma_semaphore, #tpu.memory_space<semaphore_mem>>) src(%dma_wait3A_309 : memref<256x1024xf32, #tpu.memory_space<any>>) dst(%dma_wait3A_306 : memref<256x1024xf32, #tpu.memory_space<vmem>>)
    %slice3A_310 = vector.extract_strided_slice %max3A_297 {offsets = [0, 0], sizes = [16, 256], strides = [1, 1]} : vector<16x1024xf32> to vector<16x256xf32>
    %get3A_311 = arith.constant 0 : index
    %get3A_312 = arith.constant 0 : index
    %get3A_313 = vector.load %arg15[%get3A_311, %get3A_312] : memref<1024x1024xf32, #tpu.memory_space<vmem>>, vector<256x1024xf32>
    %dot_general3A_314 = arith.constant dense<0.000000e+00> : vector<16x1024xf32>
    %dot_general3A_315 = tpu.matmul %slice3A_310, %get3A_313, %dot_general3A_314 {dimension_numbers = #tpu.dot_dimension_numbers<[1], [0], [0], [1], [0, 0, 1, 1], [], []>, transpose_lhs_hint = false} : vector<16x256xf32>, vector<256x1024xf32>, vector<16x1024xf32> -> vector<16x1024xf32>
    %add3A_316 = vector.broadcast %get3A_300 : vector<1x1024xf32> to vector<16x1024xf32>
    %add3A_317 = arith.addf %add3A_316, %dot_general3A_315 : vector<16x1024xf32>
    %dma_wait3A_318 = arith.constant 9 : i32
    %dma_wait3A_319 = tpu.memref_slice %arg17[%dma_wait3A_318] : memref<16x!tpu.dma_semaphore, #tpu.memory_space<semaphore_mem>> -> memref<1x!tpu.dma_semaphore, #tpu.memory_space<semaphore_mem>>
    %dma_wait3A_320 = tpu.memref_squeeze %dma_wait3A_319 : memref<1x!tpu.dma_semaphore, #tpu.memory_space<semaphore_mem>> -> memref<!tpu.dma_semaphore, #tpu.memory_space<semaphore_mem>>
    %dma_wait3A_321 = arith.constant 256 : i32
    %dma_wait3A_322 = arith.constant 0 : i32
    %dma_wait3A_323 = tpu.memref_slice %arg15[%dma_wait3A_321, %dma_wait3A_322] : memref<1024x1024xf32, #tpu.memory_space<vmem>> -> memref<256x1024xf32, #tpu.memory_space<vmem>>
    %dma_wait3A_324 = arith.constant 256 : i32
    %dma_wait3A_325 = arith.constant 0 : i32
    %dma_wait3A_326 = tpu.memref_slice %arg8[%dma_wait3A_324, %dma_wait3A_325] : memref<1024x1024xf32, #tpu.memory_space<any>> -> memref<256x1024xf32, #tpu.memory_space<any>>
    tpu.wait_dma2 semaphore(%dma_wait3A_320 : memref<!tpu.dma_semaphore, #tpu.memory_space<semaphore_mem>>) src(%dma_wait3A_326 : memref<256x1024xf32, #tpu.memory_space<any>>) dst(%dma_wait3A_323 : memref<256x1024xf32, #tpu.memory_space<vmem>>)
    %slice3A_327 = vector.extract_strided_slice %max3A_297 {offsets = [0, 256], sizes = [16, 256], strides = [1, 1]} : vector<16x1024xf32> to vector<16x256xf32>
    %get3A_328 = arith.constant 256 : index
    %get3A_329 = arith.constant 0 : index
    %get3A_330 = vector.load %arg15[%get3A_328, %get3A_329] : memref<1024x1024xf32, #tpu.memory_space<vmem>>, vector<256x1024xf32>
    %dot_general3A_331 = arith.constant dense<0.000000e+00> : vector<16x1024xf32>
    %dot_general3A_332 = tpu.matmul %slice3A_327, %get3A_330, %dot_general3A_331 {dimension_numbers = #tpu.dot_dimension_numbers<[1], [0], [0], [1], [0, 0, 1, 1], [], []>, transpose_lhs_hint = false} : vector<16x256xf32>, vector<256x1024xf32>, vector<16x1024xf32> -> vector<16x1024xf32>
    %add3A_333 = arith.addf %add3A_317, %dot_general3A_332 : vector<16x1024xf32>
    %dma_wait3A_334 = arith.constant 10 : i32
    %dma_wait3A_335 = tpu.memref_slice %arg17[%dma_wait3A_334] : memref<16x!tpu.dma_semaphore, #tpu.memory_space<semaphore_mem>> -> memref<1x!tpu.dma_semaphore, #tpu.memory_space<semaphore_mem>>
    %dma_wait3A_336 = tpu.memref_squeeze %dma_wait3A_335 : memref<1x!tpu.dma_semaphore, #tpu.memory_space<semaphore_mem>> -> memref<!tpu.dma_semaphore, #tpu.memory_space<semaphore_mem>>
    %dma_wait3A_337 = arith.constant 512 : i32
    %dma_wait3A_338 = arith.constant 0 : i32
    %dma_wait3A_339 = tpu.memref_slice %arg15[%dma_wait3A_337, %dma_wait3A_338] : memref<1024x1024xf32, #tpu.memory_space<vmem>> -> memref<256x1024xf32, #tpu.memory_space<vmem>>
    %dma_wait3A_340 = arith.constant 512 : i32
    %dma_wait3A_341 = arith.constant 0 : i32
    %dma_wait3A_342 = tpu.memref_slice %arg8[%dma_wait3A_340, %dma_wait3A_341] : memref<1024x1024xf32, #tpu.memory_space<any>> -> memref<256x1024xf32, #tpu.memory_space<any>>
    tpu.wait_dma2 semaphore(%dma_wait3A_336 : memref<!tpu.dma_semaphore, #tpu.memory_space<semaphore_mem>>) src(%dma_wait3A_342 : memref<256x1024xf32, #tpu.memory_space<any>>) dst(%dma_wait3A_339 : memref<256x1024xf32, #tpu.memory_space<vmem>>)
    %slice3A_343 = vector.extract_strided_slice %max3A_297 {offsets = [0, 512], sizes = [16, 256], strides = [1, 1]} : vector<16x1024xf32> to vector<16x256xf32>
    %get3A_344 = arith.constant 512 : index
    %get3A_345 = arith.constant 0 : index
    %get3A_346 = vector.load %arg15[%get3A_344, %get3A_345] : memref<1024x1024xf32, #tpu.memory_space<vmem>>, vector<256x1024xf32>
    %dot_general3A_347 = arith.constant dense<0.000000e+00> : vector<16x1024xf32>
    %dot_general3A_348 = tpu.matmul %slice3A_343, %get3A_346, %dot_general3A_347 {dimension_numbers = #tpu.dot_dimension_numbers<[1], [0], [0], [1], [0, 0, 1, 1], [], []>, transpose_lhs_hint = false} : vector<16x256xf32>, vector<256x1024xf32>, vector<16x1024xf32> -> vector<16x1024xf32>
    %add3A_349 = arith.addf %add3A_333, %dot_general3A_348 : vector<16x1024xf32>
    %dma_wait3A_350 = arith.constant 11 : i32
    %dma_wait3A_351 = tpu.memref_slice %arg17[%dma_wait3A_350] : memref<16x!tpu.dma_semaphore, #tpu.memory_space<semaphore_mem>> -> memref<1x!tpu.dma_semaphore, #tpu.memory_space<semaphore_mem>>
    %dma_wait3A_352 = tpu.memref_squeeze %dma_wait3A_351 : memref<1x!tpu.dma_semaphore, #tpu.memory_space<semaphore_mem>> -> memref<!tpu.dma_semaphore, #tpu.memory_space<semaphore_mem>>
    %dma_wait3A_353 = arith.constant 768 : i32
    %dma_wait3A_354 = arith.constant 0 : i32
    %dma_wait3A_355 = tpu.memref_slice %arg15[%dma_wait3A_353, %dma_wait3A_354] : memref<1024x1024xf32, #tpu.memory_space<vmem>> -> memref<256x1024xf32, #tpu.memory_space<vmem>>
    %dma_wait3A_356 = arith.constant 768 : i32
    %dma_wait3A_357 = arith.constant 0 : i32
    %dma_wait3A_358 = tpu.memref_slice %arg8[%dma_wait3A_356, %dma_wait3A_357] : memref<1024x1024xf32, #tpu.memory_space<any>> -> memref<256x1024xf32, #tpu.memory_space<any>>
    tpu.wait_dma2 semaphore(%dma_wait3A_352 : memref<!tpu.dma_semaphore, #tpu.memory_space<semaphore_mem>>) src(%dma_wait3A_358 : memref<256x1024xf32, #tpu.memory_space<any>>) dst(%dma_wait3A_355 : memref<256x1024xf32, #tpu.memory_space<vmem>>)
    %slice3A_359 = vector.extract_strided_slice %max3A_297 {offsets = [0, 768], sizes = [16, 256], strides = [1, 1]} : vector<16x1024xf32> to vector<16x256xf32>
    %get3A_360 = arith.constant 768 : index
    %get3A_361 = arith.constant 0 : index
    %get3A_362 = vector.load %arg15[%get3A_360, %get3A_361] : memref<1024x1024xf32, #tpu.memory_space<vmem>>, vector<256x1024xf32>
    %dot_general3A_363 = arith.constant dense<0.000000e+00> : vector<16x1024xf32>
    %dot_general3A_364 = tpu.matmul %slice3A_359, %get3A_362, %dot_general3A_363 {dimension_numbers = #tpu.dot_dimension_numbers<[1], [0], [0], [1], [0, 0, 1, 1], [], []>, transpose_lhs_hint = false} : vector<16x256xf32>, vector<256x1024xf32>, vector<16x1024xf32> -> vector<16x1024xf32>
    %add3A_365 = arith.addf %add3A_349, %dot_general3A_364 : vector<16x1024xf32>
    %max3A_366 = arith.constant 0.000000e+00 : f32
    %max3A_367 = vector.broadcast %max3A_366 : f32 to vector<16x1024xf32>
    %max3A_368 = arith.maximumf %add3A_365, %max3A_367 : vector<16x1024xf32>
    %get3A_369 = arith.constant 0 : index
    %get3A_370 = arith.constant 0 : index
    %get3A_371 = vector.load %arg11[%get3A_369, %get3A_370] : memref<1x1024xf32, #tpu.memory_space<vmem>>, vector<1x1024xf32>
    %dma_wait3A_372 = arith.constant 12 : i32
    %dma_wait3A_373 = tpu.memref_slice %arg17[%dma_wait3A_372] : memref<16x!tpu.dma_semaphore, #tpu.memory_space<semaphore_mem>> -> memref<1x!tpu.dma_semaphore, #tpu.memory_space<semaphore_mem>>
    %dma_wait3A_374 = tpu.memref_squeeze %dma_wait3A_373 : memref<1x!tpu.dma_semaphore, #tpu.memory_space<semaphore_mem>> -> memref<!tpu.dma_semaphore, #tpu.memory_space<semaphore_mem>>
    %dma_wait3A_375 = arith.constant 0 : i32
    %dma_wait3A_376 = arith.constant 0 : i32
    %dma_wait3A_377 = tpu.memref_slice %arg16[%dma_wait3A_375, %dma_wait3A_376] : memref<1024x1024xf32, #tpu.memory_space<vmem>> -> memref<256x1024xf32, #tpu.memory_space<vmem>>
    %dma_wait3A_378 = arith.constant 0 : i32
    %dma_wait3A_379 = arith.constant 0 : i32
    %dma_wait3A_380 = tpu.memref_slice %arg10[%dma_wait3A_378, %dma_wait3A_379] : memref<1024x1024xf32, #tpu.memory_space<any>> -> memref<256x1024xf32, #tpu.memory_space<any>>
    tpu.wait_dma2 semaphore(%dma_wait3A_374 : memref<!tpu.dma_semaphore, #tpu.memory_space<semaphore_mem>>) src(%dma_wait3A_380 : memref<256x1024xf32, #tpu.memory_space<any>>) dst(%dma_wait3A_377 : memref<256x1024xf32, #tpu.memory_space<vmem>>)
    %slice3A_381 = vector.extract_strided_slice %max3A_368 {offsets = [0, 0], sizes = [16, 256], strides = [1, 1]} : vector<16x1024xf32> to vector<16x256xf32>
    %get3A_382 = arith.constant 0 : index
    %get3A_383 = arith.constant 0 : index
    %get3A_384 = vector.load %arg16[%get3A_382, %get3A_383] : memref<1024x1024xf32, #tpu.memory_space<vmem>>, vector<256x1024xf32>
    %dot_general3A_385 = arith.constant dense<0.000000e+00> : vector<16x1024xf32>
    %dot_general3A_386 = tpu.matmul %slice3A_381, %get3A_384, %dot_general3A_385 {dimension_numbers = #tpu.dot_dimension_numbers<[1], [0], [0], [1], [0, 0, 1, 1], [], []>, transpose_lhs_hint = false} : vector<16x256xf32>, vector<256x1024xf32>, vector<16x1024xf32> -> vector<16x1024xf32>
    %add3A_387 = vector.broadcast %get3A_371 : vector<1x1024xf32> to vector<16x1024xf32>
    %add3A_388 = arith.addf %add3A_387, %dot_general3A_386 : vector<16x1024xf32>
    %dma_wait3A_389 = arith.constant 13 : i32
    %dma_wait3A_390 = tpu.memref_slice %arg17[%dma_wait3A_389] : memref<16x!tpu.dma_semaphore, #tpu.memory_space<semaphore_mem>> -> memref<1x!tpu.dma_semaphore, #tpu.memory_space<semaphore_mem>>
    %dma_wait3A_391 = tpu.memref_squeeze %dma_wait3A_390 : memref<1x!tpu.dma_semaphore, #tpu.memory_space<semaphore_mem>> -> memref<!tpu.dma_semaphore, #tpu.memory_space<semaphore_mem>>
    %dma_wait3A_392 = arith.constant 256 : i32
    %dma_wait3A_393 = arith.constant 0 : i32
    %dma_wait3A_394 = tpu.memref_slice %arg16[%dma_wait3A_392, %dma_wait3A_393] : memref<1024x1024xf32, #tpu.memory_space<vmem>> -> memref<256x1024xf32, #tpu.memory_space<vmem>>
    %dma_wait3A_395 = arith.constant 256 : i32
    %dma_wait3A_396 = arith.constant 0 : i32
    %dma_wait3A_397 = tpu.memref_slice %arg10[%dma_wait3A_395, %dma_wait3A_396] : memref<1024x1024xf32, #tpu.memory_space<any>> -> memref<256x1024xf32, #tpu.memory_space<any>>
    tpu.wait_dma2 semaphore(%dma_wait3A_391 : memref<!tpu.dma_semaphore, #tpu.memory_space<semaphore_mem>>) src(%dma_wait3A_397 : memref<256x1024xf32, #tpu.memory_space<any>>) dst(%dma_wait3A_394 : memref<256x1024xf32, #tpu.memory_space<vmem>>)
    %slice3A_398 = vector.extract_strided_slice %max3A_368 {offsets = [0, 256], sizes = [16, 256], strides = [1, 1]} : vector<16x1024xf32> to vector<16x256xf32>
    %get3A_399 = arith.constant 256 : index
    %get3A_400 = arith.constant 0 : index
    %get3A_401 = vector.load %arg16[%get3A_399, %get3A_400] : memref<1024x1024xf32, #tpu.memory_space<vmem>>, vector<256x1024xf32>
    %dot_general3A_402 = arith.constant dense<0.000000e+00> : vector<16x1024xf32>
    %dot_general3A_403 = tpu.matmul %slice3A_398, %get3A_401, %dot_general3A_402 {dimension_numbers = #tpu.dot_dimension_numbers<[1], [0], [0], [1], [0, 0, 1, 1], [], []>, transpose_lhs_hint = false} : vector<16x256xf32>, vector<256x1024xf32>, vector<16x1024xf32> -> vector<16x1024xf32>
    %add3A_404 = arith.addf %add3A_388, %dot_general3A_403 : vector<16x1024xf32>
    %dma_wait3A_405 = arith.constant 14 : i32
    %dma_wait3A_406 = tpu.memref_slice %arg17[%dma_wait3A_405] : memref<16x!tpu.dma_semaphore, #tpu.memory_space<semaphore_mem>> -> memref<1x!tpu.dma_semaphore, #tpu.memory_space<semaphore_mem>>
    %dma_wait3A_407 = tpu.memref_squeeze %dma_wait3A_406 : memref<1x!tpu.dma_semaphore, #tpu.memory_space<semaphore_mem>> -> memref<!tpu.dma_semaphore, #tpu.memory_space<semaphore_mem>>
    %dma_wait3A_408 = arith.constant 512 : i32
    %dma_wait3A_409 = arith.constant 0 : i32
    %dma_wait3A_410 = tpu.memref_slice %arg16[%dma_wait3A_408, %dma_wait3A_409] : memref<1024x1024xf32, #tpu.memory_space<vmem>> -> memref<256x1024xf32, #tpu.memory_space<vmem>>
    %dma_wait3A_411 = arith.constant 512 : i32
    %dma_wait3A_412 = arith.constant 0 : i32
    %dma_wait3A_413 = tpu.memref_slice %arg10[%dma_wait3A_411, %dma_wait3A_412] : memref<1024x1024xf32, #tpu.memory_space<any>> -> memref<256x1024xf32, #tpu.memory_space<any>>
    tpu.wait_dma2 semaphore(%dma_wait3A_407 : memref<!tpu.dma_semaphore, #tpu.memory_space<semaphore_mem>>) src(%dma_wait3A_413 : memref<256x1024xf32, #tpu.memory_space<any>>) dst(%dma_wait3A_410 : memref<256x1024xf32, #tpu.memory_space<vmem>>)
    %slice3A_414 = vector.extract_strided_slice %max3A_368 {offsets = [0, 512], sizes = [16, 256], strides = [1, 1]} : vector<16x1024xf32> to vector<16x256xf32>
    %get3A_415 = arith.constant 512 : index
    %get3A_416 = arith.constant 0 : index
    %get3A_417 = vector.load %arg16[%get3A_415, %get3A_416] : memref<1024x1024xf32, #tpu.memory_space<vmem>>, vector<256x1024xf32>
    %dot_general3A_418 = arith.constant dense<0.000000e+00> : vector<16x1024xf32>
    %dot_general3A_419 = tpu.matmul %slice3A_414, %get3A_417, %dot_general3A_418 {dimension_numbers = #tpu.dot_dimension_numbers<[1], [0], [0], [1], [0, 0, 1, 1], [], []>, transpose_lhs_hint = false} : vector<16x256xf32>, vector<256x1024xf32>, vector<16x1024xf32> -> vector<16x1024xf32>
    %add3A_420 = arith.addf %add3A_404, %dot_general3A_419 : vector<16x1024xf32>
    %dma_wait3A_421 = arith.constant 15 : i32
    %dma_wait3A_422 = tpu.memref_slice %arg17[%dma_wait3A_421] : memref<16x!tpu.dma_semaphore, #tpu.memory_space<semaphore_mem>> -> memref<1x!tpu.dma_semaphore, #tpu.memory_space<semaphore_mem>>
    %dma_wait3A_423 = tpu.memref_squeeze %dma_wait3A_422 : memref<1x!tpu.dma_semaphore, #tpu.memory_space<semaphore_mem>> -> memref<!tpu.dma_semaphore, #tpu.memory_space<semaphore_mem>>
    %dma_wait3A_424 = arith.constant 768 : i32
    %dma_wait3A_425 = arith.constant 0 : i32
    %dma_wait3A_426 = tpu.memref_slice %arg16[%dma_wait3A_424, %dma_wait3A_425] : memref<1024x1024xf32, #tpu.memory_space<vmem>> -> memref<256x1024xf32, #tpu.memory_space<vmem>>
    %dma_wait3A_427 = arith.constant 768 : i32
    %dma_wait3A_428 = arith.constant 0 : i32
    %dma_wait3A_429 = tpu.memref_slice %arg10[%dma_wait3A_427, %dma_wait3A_428] : memref<1024x1024xf32, #tpu.memory_space<any>> -> memref<256x1024xf32, #tpu.memory_space<any>>
    tpu.wait_dma2 semaphore(%dma_wait3A_423 : memref<!tpu.dma_semaphore, #tpu.memory_space<semaphore_mem>>) src(%dma_wait3A_429 : memref<256x1024xf32, #tpu.memory_space<any>>) dst(%dma_wait3A_426 : memref<256x1024xf32, #tpu.memory_space<vmem>>)
    %slice3A_430 = vector.extract_strided_slice %max3A_368 {offsets = [0, 768], sizes = [16, 256], strides = [1, 1]} : vector<16x1024xf32> to vector<16x256xf32>
    %get3A_431 = arith.constant 768 : index
    %get3A_432 = arith.constant 0 : index
    %get3A_433 = vector.load %arg16[%get3A_431, %get3A_432] : memref<1024x1024xf32, #tpu.memory_space<vmem>>, vector<256x1024xf32>
    %dot_general3A_434 = arith.constant dense<0.000000e+00> : vector<16x1024xf32>
    %dot_general3A_435 = tpu.matmul %slice3A_430, %get3A_433, %dot_general3A_434 {dimension_numbers = #tpu.dot_dimension_numbers<[1], [0], [0], [1], [0, 0, 1, 1], [], []>, transpose_lhs_hint = false} : vector<16x256xf32>, vector<256x1024xf32>, vector<16x1024xf32> -> vector<16x1024xf32>
    %add3A_436 = arith.addf %add3A_420, %dot_general3A_435 : vector<16x1024xf32>
    %swap3A = arith.constant 0 : index
    %swap3A_437 = arith.constant 0 : index
    %swap3A_438 = vector.load %arg12[%swap3A, %swap3A_437] : memref<16x1024xf32, #tpu.memory_space<vmem>>, vector<16x1024xf32>
    tpu.vector_store %arg12[%swap3A, %swap3A_437], %add3A_436 {strides = array<i32>} : memref<16x1024xf32, #tpu.memory_space<vmem>>, vector<16x1024xf32>,
    return
  }
}

</mosaic_0001>

<sc_bundles>
// kernel: kernel.4.cloned.1.call-start
scs
__scs_entry_jumppad:
0x0: {  	(pc) =	sbr.rel $0x88, $3  }
0x1: {  	(tag) =	ssettag $0x0;
	lr =	simm.s32 $0x1  }
0x2: {  	[smem:$0x3F95] =	sst lr;
	_ =	strace $0xD0000000  }
0x3: {  	_ = 	snop  }
0x4: {  	_ = 	snop  }
0x5: {  	_ = 	snop  }
0x6: {  	_ = 	snop  }
0x7: {  	_ = 	snop  }
__scs_overlays_trampoline_lowered:
0x8: {  	[smem:$0x3FA4] =	sst s0  }
0x9: {  	[smem:$0x3FA5] =	sst s1  }
0xa: {  	[smem:$0x3FA6] =	sst s2  }
0xb: {  	[smem:$0x3FA7] =	sst s3  }
0xc: {  	[smem:$0x3FA8] =	sst s4  }
0xd: {  	[smem:$0x3FA9] =	sst s5  }
0xe: {  	[smem:$0x3FAA] =	sst s6  }
0xf: {  	[smem:$0x3FAB] =	sst s7  }
0x10: {  	[smem:$0x3FAC] =	sst s8  }
0x11: {  	[smem:$0x3FAD] =	sst s9;
	s0 =	simm.s32 @!p0 $0x0  }
0x12: {  	s1 =	sld [smem:$0x3F93];
	s0 =	simm.s32 @p0 $0x1  }
0x13: {  	[smem:$0x3FAE] =	sst s0;
	s0 =	simm.s32 @!p1 $0x0  }
0x14: {  	s2 =	sld [smem:$0x3F92];
	s0 =	simm.s32 @p1 $0x1  }
0x15: {  	[smem:$0x3FAF] =	sst s0;
	s0 =	simm.s32 @!p2 $0x0  }
0x16: {  	s3 =	sld [smem:$0x3FDB];
	s0 =	simm.s32 @p2 $0x1  }
0x17: {  	s4 =	simm.s32 $0x1BF5;
	[smem:$0x3FB1] =	sst s0  }
0x18: {  	s0 =	sld [smem:$0x3F94];
	_ =	swait.ge [sflag:s4], $0x0  }
0x19: {  	s7 =	sld [smem:$0x3F95]  }
0x1a: {  	s8 =	sadd.s32 $0xFFFFE003, lr  }
0x1b: {  	s9 =	sadd.s32 $0xFFFFFEF7, lr;
	s5 =	simm.s32 $0xFFFFFFFF;
	p2 =	slt.u32 s8, $0xFFFFF086  }
0x1c: {  	p1 =	slt.u32 s9, $0xF7A;
	s5 =	simm.s32 @!p2 $0x0  }
0x1d: {  	s5 =	simm.s32 @p1 $0x1;
	p0 =	seq.s32 s7, s2  }
0x1e: {  	s7 =	smul.u32 @!p0 $0xF7A, s2;
	p2 =	seq.s32 @!p0 s5, $0x0  }
0x1f: {  	s9 =	smul.u32 $0xF7A, s1;
	s8 =	simm.s32 @!p0 $0x1BF5;
	p2 =	por !p2, p0  }
0x20: {  	[sflag:s8] =	ssyncset.s32 @!p0 $0xFFFFF086;
	s6 =	sadd.s32 @!p0 s3, s7;
	s7 =	simm.s32 @!p0 $0x108  }
0x21: {  	s3 =	sadd.s32 s3, s9;
	s6 =	sadd.s32 @!p0 $0x88, s6;
	s7 =	simm.s32 @p2 $0x1082  }
0x22: {  	[simem:s7], [sflag:s8] =	dma.local @!p0 [hbm:s6], $0xF7A  }
0x23: {  	s9 =	sor.u32 $0xD0000000, s2;
	s6 =	simm.s32 $0x108;
	_ =	swait.ge @!p0 [sflag:s8], $0x0  }
0x24: {  	s3 =	sadd.s32 $0x88, s3;
	s6 =	simm.s32 @!p1 $0x1082;
	[sflag:s4] =	ssyncset.s32 $0xFFFFF086  }
0x25: {  	[simem:s6], [sflag:s4] =	dma.local [hbm:s3], $0xF7A  }
0x26: {  	[smem:$0x3F95] =	sst s1;
	(tag) =	ssettag s2;
	_ =	strace s9  }
0x27: {  	s1 =	sld [smem:$0x3FA5]  }
0x28: {  	s2 =	sld [smem:$0x3FA6]  }
0x29: {  	s4 =	sld [smem:$0x3FA8]  }
0x2a: {  	p0 =	seq.s32 s5, $0x0;
	s5 =	sld [smem:$0x3FA9]  }
0x2b: {  	s6 =	sld [smem:$0x3FAA]  }
0x2c: {  	s7 =	sld [smem:$0x3FAB]  }
0x2d: {  	s3 =	simm.s32 $0x108;
	s8 =	sld [smem:$0x3FAC]  }
0x2e: {  	s3 =	simm.s32 @!p0 $0x1082;
	s9 =	sld [smem:$0x3FAD]  }
0x2f: {  	lr =	sadd.s32 s0, s3;
	s0 =	sld [smem:$0x3FA4]  }
0x30: {  	s3 =	sld [smem:$0x3FA7]  }
0x31: {  	[smem:$0x3FB0] =	sst s10  }
0x32: {  	s10 =	sld [smem:$0x3FAE];
	_ =	sdelay $0x3  }
0x33: {  	p0 =	seq.s32 s10, $0x1;
	s10 =	sld [smem:$0x3FB0];
	_ =	sdelay $0x3  }
0x34: {  	[smem:$0x3FB0] =	sst s10  }
0x35: {  	s10 =	sld [smem:$0x3FAF];
	_ =	sdelay $0x3  }
0x36: {  	p1 =	seq.s32 s10, $0x1;
	s10 =	sld [smem:$0x3FB0];
	_ =	sdelay $0x3  }
0x37: {  	[smem:$0x3FB0] =	sst s10  }
0x38: {  	s10 =	sld [smem:$0x3FB1]  }
0x39: {  	_ = 	snop;
	(pc) =	sbr.ind lr, $3  }
0x3a: {  	_ = 	snop  }
0x3b: {  	_ = 	snop  }
0x3c: {  	p2 =	seq.s32 s10, $0x1;
	s10 =	sld [smem:$0x3FB0]  }
0x3d: {  	_ =	shalt  }
0x3e: {  	_ =	shalt  }
0x3f: {  	_ =	shalt  }
0x40: {  	_ =	shalt  }
0x41: {  	_ =	shalt  }
0x42: {  	_ =	shalt  }
0x43: {  	_ =	shalt  }
0x44: {  	_ =	shalt  }
0x45: {  	_ =	shalt  }
0x46: {  	_ =	shalt  }
0x47: {  	_ =	shalt  }
0x48: {  	_ =	shalt  }
0x49: {  	_ =	shalt  }
0x4a: {  	_ =	shalt  }
0x4b: {  	_ =	shalt  }
0x4c: {  	_ =	shalt  }
0x4d: {  	_ =	shalt  }
0x4e: {  	_ =	shalt  }
0x4f: {  	_ =	shalt  }
0x50: {  	_ =	shalt  }
0x51: {  	_ =	shalt  }
0x52: {  	_ =	shalt  }
0x53: {  	_ =	shalt  }
0x54: {  	_ =	shalt  }
0x55: {  	_ =	shalt  }
0x56: {  	_ =	shalt  }
0x57: {  	_ =	shalt  }
0x58: {  	_ =	shalt  }
0x59: {  	_ =	shalt  }
0x5a: {  	_ =	shalt  }
0x5b: {  	_ =	shalt  }
0x5c: {  	_ =	shalt  }
0x5d: {  	_ =	shalt  }
0x5e: {  	_ =	shalt  }
0x5f: {  	_ =	shalt  }
0x60: {  	_ =	shalt  }
0x61: {  	_ =	shalt  }
0x62: {  	_ =	shalt  }
0x63: {  	_ =	shalt  }
0x64: {  	_ =	shalt  }
0x65: {  	_ =	shalt  }
0x66: {  	_ =	shalt  }
0x67: {  	_ =	shalt  }
0x68: {  	_ =	shalt  }
0x69: {  	_ =	shalt  }
0x6a: {  	_ =	shalt  }
0x6b: {  	_ =	shalt  }
0x6c: {  	_ =	shalt  }
0x6d: {  	_ =	shalt  }
0x6e: {  	_ =	shalt  }
0x6f: {  	_ =	shalt  }
0x70: {  	_ =	shalt  }
0x71: {  	_ =	shalt  }
0x72: {  	_ =	shalt  }
0x73: {  	_ =	shalt  }
0x74: {  	_ =	shalt  }
0x75: {  	_ =	shalt  }
0x76: {  	_ =	shalt  }
0x77: {  	_ =	shalt  }
0x78: {  	_ =	shalt  }
0x79: {  	_ =	shalt  }
0x7a: {  	_ =	shalt  }
0x7b: {  	_ =	shalt  }
0x7c: {  	_ =	shalt  }
0x7d: {  	_ =	shalt  }
0x7e: {  	_ =	shalt  }
0x7f: {  	_ =	shalt  }
0x80: {  	_ =	shalt  }
0x81: {  	_ =	shalt  }
0x82: {  	_ =	shalt  }
0x83: {  	_ =	shalt  }
0x84: {  	_ =	shalt  }
0x85: {  	_ =	shalt  }
0x86: {  	_ =	shalt  }
0x87: {  	_ =	shalt  }
.Lfunc_end0:
.L_simem_size_0:
called_computation_lowered:
.L_overlay_start_0:
0x88: {  	s2 =	sld [smem:$0x3FD9]  }
0x89: {  	s3 =	sld [smem:$0x3FFE];
	_ =	sdelay $0x1  }
0x8a: {  	s1 =	srdreg.scid  }
0x8b: {  	s0 =	sand.u32 $0x1, s1  }
0x8c: {  	s17 =	sshll.u32 s0, $0xA;
	s2 =	sadd.s32 s3, s2  }
0x8d: {  	s2 =	sadd.s32 s2, s17  }
0x8e: {  	[smem:$0x3FBC] =	sst s2  }
0x8f: {  	_ = 	snop  }
0x90: {  	s2 =	sld [smem:$0x3FC9]  }
0x91: {  	s18 =	sld [smem:$0x3FD0];
	(tm) =	ssettm $0x1  }
0x92: {  	s4 =	sld [smem:$0x3FFB];
	_ =	sdelay $0x3  }
0x93: {  	_ =	strace s4  }
0x94: {  	s4 =	sld [smem:$0x3FFC];
	_ =	sdelay $0x3  }
0x95: {  	_ =	strace s4  }
0x96: {  	s4 =	sld [smem:$0x3FFD];
	_ =	sdelay $0x3  }
0x97: {  	_ =	strace s4  }
0x98: {  	_ =	strace $0x8FFFFFFF  }
0x99: {  	s19 =	sld [smem:$0x3FDB];
	_ =	sdelay $0x1  }
0x9a: {  	s5 =	simm.s32 $_scs_section_size  }
0x9b: {  	s6 =	simm.s32 $_size__tile_overlayer_lowered;
	s7 =	simm.s32 $_tile_overlayer_lowered  }
0x9c: {  	s22 =	simm.s32 $0x1BFF;
	s21 =	sshll.u32 s7, $0x1;
	s4 =	sadd.s32 s5, s19  }
0x9d: {  	s8 =	simm.s32 $0x0;
	s20 =	sshll.u32 s6, $0x1;
	s6 =	sadd.s32 s21, s4  }
0x9e: {  	[timem:s8], [sflag:s22] =	dma.local [hbm:s6], s20  }
0x9f: {  	_ =	swait.ge [sflag:s22], s20  }
0xa0: {  	s5 =	ssub.s32 $0x0, s20;
	[sflag:s22] =	ssyncset.done $0x0  }
0xa1: {  	[sflag:s22] =	ssyncadd.s32 s5;
	_ =	sdelay $0x1  }
0xa2: {  	s23 =	simm.s32 $0x1B8B  }
0xa3: {  	_ =	swait.ge [sflag:s23], $0x1  }
0xa4: {  	[sflag:s23] =	ssyncset.done $0x0  }
0xa5: {  	s25 =	simm.s32 $0x1B8E;
	s24 =	sld [smem:$0x3FFE];
	[sflag:s23] =	ssyncadd.s32 $0xFFFFFFFF  }
0xa6: {  	s26 =	simm.s32 $execute0_lowered;
	[smem:$0x3FD2] =	sst s25  }
0xa7: {  	s6 =	sshll.u32 s26, $0x1;
	_ =	strace $0x80000046;
	[dreg:$0x1] =	wrdreg $0xFFFFFFFF  }
0xa8: {  	s28 =	simm.s32 $_size_execute0_lowered;
	s4 =	sadd.s32 s4, s6;
	[dreg:$0x0] =	wrdreg $0x0  }
0xa9: {  	s6 =	sshll.u32 s28, $0x1;
	[dreg:$0x2] =	wrdreg s4  }
0xaa: {  	[dreg:$0x3] =	wrdreg s6  }
0xab: {  	[dreg:$0x4] =	wrdreg $0xC0  }
0xac: {  	_ =	task [dreg:s8], $0x5FFFF  }
0xad: {  	[dreg:$0x1] =	wrdreg $0xFFFFFFFF  }
0xae: {  	[dreg:$0x0] =	wrdreg $0x60  }
0xaf: {  	[dreg:$0x2] =	wrdreg s2  }
0xb0: {  	[dreg:$0x3] =	wrdreg s18  }
0xb1: {  	[dreg:$0x4] =	wrdreg s24  }
0xb2: {  	[dreg:$0x5] =	wrdreg $0x9  }
0xb3: {  	_ =	task.clear_ibuf [dreg:s8], $0x6FFFF;
	_ =	strace $0x90000046  }
0xb4: {  	s29 =	simm.s32 $0x9;
	_ =	strace $0x80000048  }
0xb5: {  	_ =	swait.ge [sflag:s29], $0x1  }
0xb6: {  	[sflag:s29] =	ssyncadd.s32 $0xFFFFFFFF  }
0xb7: {  	_ =	strace $0x90000048  }
0xb8: {  	_ =	sfence  }
0xb9: {  	s30 =	sld [smem:$0x0];
	_ =	sdelay $0x2  }
0xba: {  	s31 =	sshll.u32 s1, $0xD;
	s1 =	sshrl.u32 s1, $0x2  }
0xbb: {  	s3 =	sand.u32 $0x4000, s31;
	s1 =	sadd.s32 s1, s30  }
0xbc: {  	s0 =	sor.u32 s3, s0;
	s1 =	sshll.u32 s1, $0x11  }
0xbd: {  	s0 =	sor.u32 s1, s0  }
0xbe: {  	s0 =	sadd.s32 $0x8F2B, s0  }
0xbf: {  	[sflag:s0] =	ssyncadd.remote.s32 $0x1  }
0xc0: {  	_ =	sfence.sel $0xFFFF  }
0xc1: {  	[dreg:$0x0] =	wrdreg $0xFFFFFFFF;
	(pc) =	sbr.abs _section_cstart, $3  }
0xc2: {  	[dreg:$0x1] =	wrdreg $0xFFFFFFFF  }
0xc3: {  	_ =	task.clear_ibuf [dreg:s8], $0x2FFFF;
	_ =	strace $0x9FFFFFFF  }
0xc4: {  	(tm) =	ssettm $0x7FFFFFFF  }
0xc5: {  	_ =	shalt  }
tec
execute0_lowered:
.L_overlay_start_1:
0x0: {  	(tag) =	ssettag $0x1  }
0x1: {  	s4 =	rddreg [dreg:$0x0]  }
0x2: {  	s5 =	rddreg [dreg:$0x1]  }
0x3: {  	s3 =	rddreg [dreg:$0x2]  }
0x4: {  	s0 =	rddreg [dreg:$0x3];
	s1 =	stileid.u32  }
0x5: {  	s2 =	simm.s32 $0x0;
	s6 =	srdreg.scid;
	s7 =	sshll.u32 s1, $0x7  }
0x6: {  	s8 =	sshrl.u32 s1, $0x3;
	s6 =	sand.u32 $0x1, s6;
	[smem:$0x7FF] =	sst s2  }
0x7: {  	s7 =	sand.u32 $0x380, s7;
	s9 =	sshll.u32 s8, $0xA;
	s10 =	sshll.u32 s6, $0x4  }
0x8: {  	_ =	strace $0x80000047;
	s8 =	sshll.u32 s8, $0xE;
	s12 =	sshll.u32 s6, $0xD  }
0x9: {  	s11 =	ssub.s32 $0x2, s6;
	s9 =	sor.u32 s7, s9;
	s8 =	sor.u32 s12, s8  }
0xa: {  	s29 =	sshrl.u32 s11, $0x1;
	s12 =	simm.s32 $0x0;
	s10 =	sor.u32 s10, s9  }
0xb: {  	s11 =	ssub.s32 s11, s29;
	s7 =	sor.u32 s7, s8;
	s31 =	sshrl.u32 s9, $0x3  }
0xc: {  	s8 =	simm.s32 $0x80;
	s9 =	simm.s32 $0x400;
	s10 =	sshrl.u32 s10, $0x3  }
0xd: {  	s30 =	sshrl.u32 s7, $0x3;
	s5 =	sadd.s32 s5, s31;
	s7 =	smax.u32 s11, $0x1  }
0xe: {  	s11 =	simm.s32 $0x480;
	s10 =	sadd.s32 s10, s3;
	s3 =	sshll.u32 s6, $0xA  }
0xf: {  	v0 =	vlaneseq.u32;
	s4 =	sadd.s32 s4, s30;
	s6 =	sadd.s32 $0x1A00, s10;
	s10 =	simm.s32 $0x1  }
.LBB2_1:
0x10: {  	[tilespmem:s2], [sflag:$0x1] =	stream.strided.gather [hbm4b:s4+s8], $0x400, s9, s8, $0x38;
	[tilespmem:$0x500] =	vst v63  }
0x11: {  	_ =	swait.ge [sflag:s10], $0x400  }
0x12: {  	[sflag:s10] =	ssyncset.done $0x0  }
0x13: {  	[sflag:s10] =	ssyncadd.s32 $0xFFFFFC00  }
0x14: {  	[tilespmem:s9], [sflag:$0x1] =	stream.linear.gather [hbm4b:s5+s2], $0x80, $0x38;
	[tilespmem:$0x500] =	vst v63  }
0x15: {  	_ =	swait.ge [sflag:s10], $0x80  }
0x16: {  	[sflag:s10] =	ssyncset.done $0x0  }
0x17: {  	[sflag:s10] =	ssyncadd.s32 $0xFFFFFF80  }
0x18: {  	s14 =	simm.s32 $0x0;
	v1 =	vld [tilespmem:$0x400]  }
0x19: {  	v3 =	vld [tilespmem:s14+$0x0];
	_ =	sdelay $0x2  }
0x1a: {  	v4 =	vor.u32 s3, v0  }
0x1b: {  	v2 =	vimm.f32 $0.0e+00;
	s13 =	simm.s32 $0x40;
	s14 =	smov.u32 s3;
	vm0 =	vlt.s32 v4, v1  }
.LBB2_2:
0x1c: {  	s15 =	sshra.s32 s13, $0x2;
	p0 =	sne.s32 s13, $0xFC0;
	s13 =	sadd.s32 $0x40, s13;
	v4 =	vnsel vm0, $0x0, v3  }
.Ltmp0:
0x1d: {  	v3 =	vld [tilespmem:s15+$0x0];
	v2 =	vadd.f32 v4, v2;
	(pc) =	sbr.rel @p0 .LBB2_2-.Ltmp0, $4  }
0x1e: {  	_ = 	snop  }
0x1f: {  	s14 =	sadd.s32 $0x10, s14  }
0x20: {  	v4 =	vor.u32 s14, v0  }
0x21: {  	vm0 =	vlt.s32 v4, v1  }
0x22: {  	v1 =	vnsel vm0, $0x0, v3  }
0x23: {  	s12 =	sadd.s32 $0x1, s12;
	v1 =	vadd.f32 v1, v2  }
0x24: {  	p0 =	sne.s32 s12, s7  }
.Ltmp1:
0x25: {  	[tilespmem:$0x480] =	vst v1;
	(pc) =	sbr.rel @p0 .LBB2_1-.Ltmp1, $4  }
0x26: {  	[hbm4b:s6+s2] =	stream.linear.scatter [tilespmem:s11], [sflag:$0x1], $0x10, $0x38;
	[tilespmem:$0x500] =	vst v63  }
0x27: {  	_ =	swait.ge [sflag:s10], $0x10  }
0x28: {  	[sflag:s10] =	ssyncset.done $0x0  }
0x29: {  	[sflag:s10] =	ssyncadd.s32 $0xFFFFFFF0  }
0x2a: {  	_ =	sfence.sel $0x180000  }
0x2b: {  	[bflag:$0x0] =	sbarrier.arrive $0xFFFF  }
0x2c: {  	p0 =	sne.s32 s1, $0x0;
	_ =	strace $0x90000047  }
0x2d: {  	s0 =	sadd.s32 @!p0 $0x100000, s0;
	[bflag:$0x2] =	sbarrier.arrive $0xFFFF  }
0x2e: {  	[sflag:s0] =	ssyncadd.tile.s32 @!p0 $0x1;
	_ =	shalt  }
.Lfunc_end2:
_tile_overlayer_lowered:
.L_overlay_start_2:
0x2f: {  	(tag) =	ssettag $0x2  }
0x30: {  	s0 =	rddreg [dreg:$0x0];
	s2 =	stileid.u32  }
0x31: {  	s1 =	rddreg [dreg:$0x1];
	p0 =	sne.s32 s2, $0x0  }
0x32: {  	s3 =	rddreg [dreg:$0x2];
	[bflag:$0x3] =	sbarrier.arrive $0xFFFF;
	s2 =	simm.s32 @!p0 $0x1C01  }
0x33: {  	[timem:s3], [sflag:s2] =	dma.local @!p0 [hbm:s0], s1  }
0x34: {  	s0 =	simm.s32 @!p0 $0x1  }
0x35: {  	_ =	swait.ge @!p0 [sflag:s0], s1  }
0x36: {  	s1 =	ssub.s32 @!p0 $0x0, s1;
	[sflag:s0] =	ssyncset.done @!p0 $0x0  }
0x37: {  	[sflag:s0] =	ssyncadd.s32 @!p0 s1  }
0x38: {  	[bflag:$0x3] =	sbarrier.arrive $0xFFFF  }
0x39: {  	_ =	shalt  }

</sc_bundles>
